<compile_context>
chip_gen: v7x
topology: tpu7x:2x2x1
jax: 0.10.2.dev20260603
libtpu: 0.0.44.dev20260713+nightly
codegen_flags: <defaults>
</compile_context>

<pallas_src>
import functools

import jax
import jax.numpy as jnp
from jax import lax
from jax.experimental import pallas as pl
from jax.experimental.pallas import tpu as pltpu
from jax.experimental.pallas import tpu_sc as plsc

F = 26
VOCAB = 1000
V = F * VOCAB
D = 16
B = 4096
NPAIR = F * (F - 1) // 2
NC, NS = 2, 16
NW = NC * NS
CHUNK = B // NW
NROWS = NPAIR + 3
VPAD = 26112


def _sc_body(xt_hbm, wf_hbm, wl_hbm, part_hbm,
             taba, tabb, xa, xb, acc, wl_v, xck, lout, zbuf):
    wid = lax.axis_index("s") * NC + lax.axis_index("c")

    pltpu.sync_copy(wl_hbm, wl_v)
    c0 = wid * CHUNK
    for f in range(F):
        pltpu.sync_copy(xt_hbm.at[pl.ds(f * B + c0, CHUNK)],
                        xck.at[pl.ds(f * CHUNK, CHUNK)])

    def lin_chunk(c, carry):
        s = c * 16
        lv = jnp.zeros((16,), jnp.float32)
        for f in range(F):
            xi = xck[pl.ds(f * CHUNK + s, 16)]
            lv = lv + plsc.load_gather(wl_v, [xi + f * VOCAB])
        lout[pl.ds(s, 16)] = lv
        zbuf[pl.ds(s, 16)] = jnp.zeros((16,), jnp.float32)
        return carry

    lax.fori_loop(0, CHUNK // 16, lin_chunk, 0)
    pltpu.sync_copy(lout, part_hbm.at[pl.ds(NPAIR * B + c0, CHUNK)])
    pltpu.sync_copy(zbuf, part_hbm.at[pl.ds((NPAIR + 1) * B + c0, CHUNK)])
    pltpu.sync_copy(zbuf, part_hbm.at[pl.ds((NPAIR + 2) * B + c0, CHUNK)])

    start = 10 * wid + jnp.minimum(wid, 5)
    cnt = jnp.where(wid < 5, 11, 10)

    def task(p, carry):
        r = lax.shift_right_logical(p * 5042, 16)
        g = p - 13 * r
        t = r + g
        u = r + 25 - g
        i = jnp.where(g == 0, r, jnp.where(t >= 25, t - 25, t))
        j = jnp.where(g == 0, 25, jnp.where(u >= 25, u - 25, u))
        pltpu.sync_copy(xt_hbm.at[pl.ds(i * B, B)], xa)
        pltpu.sync_copy(xt_hbm.at[pl.ds(j * B, B)], xb)
        pltpu.sync_copy(wf_hbm.at[pl.ds((j * V + i * VOCAB) * D, VOCAB * D)], taba)
        pltpu.sync_copy(wf_hbm.at[pl.ds((i * V + j * VOCAB) * D, VOCAB * D)], tabb)

        def chunk(c, inner):
            s = c * 16
            ba = xa[pl.ds(s, 16)] * D
            bb = xb[pl.ds(s, 16)] * D
            accv = jnp.zeros((16,), jnp.float32)
            for d in range(D):
                a = plsc.load_gather(taba, [ba + d])
                b = plsc.load_gather(tabb, [bb + d])
                accv = accv + a * b
            acc[pl.ds(s, 16)] = accv
            return inner

        lax.fori_loop(0, B // 16, chunk, 0)
        pltpu.sync_copy(acc, part_hbm.at[pl.ds(p * B, B)])
        return carry

    lax.fori_loop(start, start + cnt, task, 0)


_sc_stage = functools.partial(
    pl.kernel,
    out_type=jax.ShapeDtypeStruct((NROWS * B,), jnp.float32),
    mesh=plsc.VectorSubcoreMesh(core_axis_name="c", subcore_axis_name="s"),
    compiler_params=pltpu.CompilerParams(needs_layout_passes=False),
    scratch_types=[
        pltpu.VMEM((VOCAB * D,), jnp.float32),
        pltpu.VMEM((VOCAB * D,), jnp.float32),
        pltpu.VMEM((B,), jnp.int32),
        pltpu.VMEM((B,), jnp.int32),
        pltpu.VMEM((B,), jnp.float32),
        pltpu.VMEM((VPAD,), jnp.float32),
        pltpu.VMEM((F * CHUNK,), jnp.int32),
        pltpu.VMEM((CHUNK,), jnp.float32),
        pltpu.VMEM((CHUNK,), jnp.float32),
    ],
)(_sc_body)


def _combine_body(part_ref, bias_ref, o_ref):
    z = jnp.sum(part_ref[...], axis=0) + bias_ref[0]
    o_ref[...] = jax.nn.sigmoid(z)


_combine = pl.pallas_call(
    _combine_body,
    out_shape=jax.ShapeDtypeStruct((B,), jnp.float32),
    in_specs=[
        pl.BlockSpec(memory_space=pltpu.VMEM),
        pl.BlockSpec(memory_space=pltpu.SMEM),
    ],
    out_specs=pl.BlockSpec(memory_space=pltpu.VMEM),
)


def kernel(x, W_cross, W_linear, bias):
    xt = x.T.reshape(-1)
    wf = W_cross.reshape(-1)
    wl = jnp.pad(W_linear.reshape(-1), (0, VPAD - V))
    part = _sc_stage(xt, wf, wl)
    out = _combine(part.reshape(NROWS, B), bias)
    return out.reshape(B, 1)

# --- scband reference (transcript-rebuilt; emitter-appended) ---
"""Pipeline reference for scband-field-aware-factorization-machine-62843961475156 (READ-ONLY COPY).

The authoritative reference and input builder live on the scoring server;
editing this copy changes nothing except your own understanding.
"""

import jax, jax.numpy as jnp
import numpy as np

FIELD_DIMS = [1000] * 26
EMBED_DIM = 16
BATCH = 4096


def setup_inputs(seed: int = 0) -> dict:
    key = jax.random.key(seed)
    k1, k2, k3 = jax.random.split(key, 3)
    F = len(FIELD_DIMS)
    V = sum(FIELD_DIMS)
    # each column j holds raw indices in [0, FIELD_DIMS[j]); uniform vocab so single randint works
    x = jax.random.randint(k1, (BATCH, F), 0, FIELD_DIMS[0], dtype=jnp.int32)
    # field-aware cross tables: one full embedding table per field -> [F, V, D]
    W_cross = jax.random.normal(k2, (F, V, EMBED_DIM), dtype=jnp.float32) * 0.01
    # linear embedding table (embed_dim=1)
    W_linear = jax.random.normal(k3, (V, 1), dtype=jnp.float32) * 0.01
    bias = jnp.zeros((1,), dtype=jnp.float32)
    return {"x": x, "W_cross": W_cross, "W_linear": W_linear, "bias": bias}


def reference(x, W_cross, W_linear, bias):
    F = len(FIELD_DIMS)
    B = x.shape[0]
    offsets = jnp.asarray(
        np.concatenate([[0], np.cumsum(FIELD_DIMS)[:-1]]), dtype=x.dtype
    )
    idx = x + offsets[None, :]  # [B, F] global row ids
    # per-table lookup: W_cross[f][idx] for each field table f, then hstack along dim 1
    emb = W_cross[:, idx]  # [F_tables, B, F, D]
    emb = jnp.transpose(emb, (1, 0, 2, 3)).reshape(B, F * F, EMBED_DIM)
    i1, i2 = [], []
    for i in range(F):
        for j in range(i + 1, F):
            i1.append(j * F + i)
            i2.append(i * F + j)
    i1 = np.asarray(i1)
    i2 = np.asarray(i2)
    embedding_cross = (emb[:, i1] * emb[:, i2]).sum(axis=2).sum(axis=1, keepdims=True)
    linear = W_linear[idx].sum(axis=1)  # [B, F, 1] -> [B, 1]
    output = linear + bias + embedding_cross
    return jax.nn.sigmoid(output)

if __name__ == "__main__":
    import jax
    _d = setup_inputs()
    print(jax.jit(kernel)(*tuple(_d.values())))

</pallas_src>

<mosaic_0001>
#map = affine_map<(d0, d1) -> (0)>
module attributes {stable_mosaic.version = 14 : i64} {
  func.func @_sc_body(%arg0: i32, %arg1: i32, %arg2: memref<106496xi32, #tpu.memory_space<hbm>>, %arg3: memref<10816000xf32, #tpu.memory_space<hbm>>, %arg4: memref<26112xf32, #tpu.memory_space<hbm>>, %arg5: memref<1343488xf32, #tpu.memory_space<hbm>>, %arg6: memref<16000xf32, #tpu.memory_space<vmem>>, %arg7: memref<16000xf32, #tpu.memory_space<vmem>>, %arg8: memref<4096xi32, #tpu.memory_space<vmem>>, %arg9: memref<4096xi32, #tpu.memory_space<vmem>>, %arg10: memref<4096xf32, #tpu.memory_space<vmem>>, %arg11: memref<26112xf32, #tpu.memory_space<vmem>>, %arg12: memref<3328xi32, #tpu.memory_space<vmem>>, %arg13: memref<128xf32, #tpu.memory_space<vmem>>, %arg14: memref<128xf32, #tpu.memory_space<vmem>>) attributes {dimension_semantics = [#tpu.dimension_semantics<core_parallel>, #tpu.dimension_semantics<subcore_parallel>], iteration_bounds = array<i64: 2, 16>, scalar_prefetch = 0 : i64, scratch_operands = 9 : i64, tpu.core_type = #tpu.core_type<sc_vector_subcore>, window_params = [{transform_indices = #map}, {transform_indices = #map}, {transform_indices = #map}, {transform_indices = #map}]} {
    %mul3A = arith.constant 2 : i32
    %mul3A_0 = arith.muli %arg1, %mul3A : i32
    %add3A = arith.addi %mul3A_0, %arg0 : i32
    "tpu.region"() ({
      %run_scoped3A = tpu.sem_alloc : memref<!tpu.dma_semaphore, #tpu.memory_space<semaphore_mem>>
      tpu.enqueue_dma source(%arg4 : memref<26112xf32, #tpu.memory_space<hbm>>) target(%arg11 : memref<26112xf32, #tpu.memory_space<vmem>>) target_semaphore(%run_scoped3A : memref<!tpu.dma_semaphore, #tpu.memory_space<semaphore_mem>>)
      tpu.wait_dma2 semaphore(%run_scoped3A : memref<!tpu.dma_semaphore, #tpu.memory_space<semaphore_mem>>) src(%arg4 : memref<26112xf32, #tpu.memory_space<hbm>>) dst(%arg11 : memref<26112xf32, #tpu.memory_space<vmem>>)
      tpu.yield
    }) : () -> ()
    %mul3A_1 = arith.constant 128 : i32
    %mul3A_2 = arith.muli %add3A, %mul3A_1 : i32
    %add3A_3 = arith.constant 0 : i32
    %add3A_4 = arith.addi %add3A_3, %mul3A_2 : i32
    "tpu.region"() ({
      %run_scoped3A = tpu.sem_alloc : memref<!tpu.dma_semaphore, #tpu.memory_space<semaphore_mem>>
      %dma_start3A = arith.constant 0 : i32
      %dma_start3A_81 = tpu.memref_slice %arg12[%dma_start3A] : memref<3328xi32, #tpu.memory_space<vmem>> -> memref<128xi32, #tpu.memory_space<vmem>>
      %dma_start3A_82 = tpu.memref_slice %arg2[%add3A_4] : memref<106496xi32, #tpu.memory_space<hbm>> -> memref<128xi32, #tpu.memory_space<hbm>>
      %dma_start3A_83 = arith.constant 0 : i32
      %dma_start3A_84 = tpu.memref_slice %arg12[%dma_start3A_83] : memref<3328xi32, #tpu.memory_space<vmem>> -> memref<128xi32, #tpu.memory_space<vmem>>
      %dma_start3A_85 = tpu.memref_slice %arg2[%add3A_4] : memref<106496xi32, #tpu.memory_space<hbm>> -> memref<128xi32, #tpu.memory_space<hbm>>
      tpu.enqueue_dma source(%dma_start3A_85 : memref<128xi32, #tpu.memory_space<hbm>>) target(%dma_start3A_84 : memref<128xi32, #tpu.memory_space<vmem>>) target_semaphore(%run_scoped3A : memref<!tpu.dma_semaphore, #tpu.memory_space<semaphore_mem>>)
      %dma_wait3A = arith.constant 0 : i32
      %dma_wait3A_86 = tpu.memref_slice %arg12[%dma_wait3A] : memref<3328xi32, #tpu.memory_space<vmem>> -> memref<128xi32, #tpu.memory_space<vmem>>
      %dma_wait3A_87 = tpu.memref_slice %arg2[%add3A_4] : memref<106496xi32, #tpu.memory_space<hbm>> -> memref<128xi32, #tpu.memory_space<hbm>>
      %dma_wait3A_88 = arith.constant 0 : i32
      %dma_wait3A_89 = tpu.memref_slice %arg12[%dma_wait3A_88] : memref<3328xi32, #tpu.memory_space<vmem>> -> memref<128xi32, #tpu.memory_space<vmem>>
      %dma_wait3A_90 = tpu.memref_slice %arg2[%add3A_4] : memref<106496xi32, #tpu.memory_space<hbm>> -> memref<128xi32, #tpu.memory_space<hbm>>
      tpu.wait_dma2 semaphore(%run_scoped3A : memref<!tpu.dma_semaphore, #tpu.memory_space<semaphore_mem>>) src(%dma_wait3A_90 : memref<128xi32, #tpu.memory_space<hbm>>) dst(%dma_wait3A_89 : memref<128xi32, #tpu.memory_space<vmem>>)
      tpu.yield
    }) : () -> ()
    %add3A_5 = arith.constant 4096 : i32
    %add3A_6 = arith.addi %add3A_5, %mul3A_2 : i32
    "tpu.region"() ({
      %run_scoped3A = tpu.sem_alloc : memref<!tpu.dma_semaphore, #tpu.memory_space<semaphore_mem>>
      %dma_start3A = arith.constant 128 : i32
      %dma_start3A_81 = tpu.memref_slice %arg12[%dma_start3A] : memref<3328xi32, #tpu.memory_space<vmem>> -> memref<128xi32, #tpu.memory_space<vmem>>
      %dma_start3A_82 = tpu.memref_slice %arg2[%add3A_6] : memref<106496xi32, #tpu.memory_space<hbm>> -> memref<128xi32, #tpu.memory_space<hbm>>
      %dma_start3A_83 = arith.constant 128 : i32
      %dma_start3A_84 = tpu.memref_slice %arg12[%dma_start3A_83] : memref<3328xi32, #tpu.memory_space<vmem>> -> memref<128xi32, #tpu.memory_space<vmem>>
      %dma_start3A_85 = tpu.memref_slice %arg2[%add3A_6] : memref<106496xi32, #tpu.memory_space<hbm>> -> memref<128xi32, #tpu.memory_space<hbm>>
      tpu.enqueue_dma source(%dma_start3A_85 : memref<128xi32, #tpu.memory_space<hbm>>) target(%dma_start3A_84 : memref<128xi32, #tpu.memory_space<vmem>>) target_semaphore(%run_scoped3A : memref<!tpu.dma_semaphore, #tpu.memory_space<semaphore_mem>>)
      %dma_wait3A = arith.constant 128 : i32
      %dma_wait3A_86 = tpu.memref_slice %arg12[%dma_wait3A] : memref<3328xi32, #tpu.memory_space<vmem>> -> memref<128xi32, #tpu.memory_space<vmem>>
      %dma_wait3A_87 = tpu.memref_slice %arg2[%add3A_6] : memref<106496xi32, #tpu.memory_space<hbm>> -> memref<128xi32, #tpu.memory_space<hbm>>
      %dma_wait3A_88 = arith.constant 128 : i32
      %dma_wait3A_89 = tpu.memref_slice %arg12[%dma_wait3A_88] : memref<3328xi32, #tpu.memory_space<vmem>> -> memref<128xi32, #tpu.memory_space<vmem>>
      %dma_wait3A_90 = tpu.memref_slice %arg2[%add3A_6] : memref<106496xi32, #tpu.memory_space<hbm>> -> memref<128xi32, #tpu.memory_space<hbm>>
      tpu.wait_dma2 semaphore(%run_scoped3A : memref<!tpu.dma_semaphore, #tpu.memory_space<semaphore_mem>>) src(%dma_wait3A_90 : memref<128xi32, #tpu.memory_space<hbm>>) dst(%dma_wait3A_89 : memref<128xi32, #tpu.memory_space<vmem>>)
      tpu.yield
    }) : () -> ()
    %add3A_7 = arith.constant 8192 : i32
    %add3A_8 = arith.addi %add3A_7, %mul3A_2 : i32
    "tpu.region"() ({
      %run_scoped3A = tpu.sem_alloc : memref<!tpu.dma_semaphore, #tpu.memory_space<semaphore_mem>>
      %dma_start3A = arith.constant 256 : i32
      %dma_start3A_81 = tpu.memref_slice %arg12[%dma_start3A] : memref<3328xi32, #tpu.memory_space<vmem>> -> memref<128xi32, #tpu.memory_space<vmem>>
      %dma_start3A_82 = tpu.memref_slice %arg2[%add3A_8] : memref<106496xi32, #tpu.memory_space<hbm>> -> memref<128xi32, #tpu.memory_space<hbm>>
      %dma_start3A_83 = arith.constant 256 : i32
      %dma_start3A_84 = tpu.memref_slice %arg12[%dma_start3A_83] : memref<3328xi32, #tpu.memory_space<vmem>> -> memref<128xi32, #tpu.memory_space<vmem>>
      %dma_start3A_85 = tpu.memref_slice %arg2[%add3A_8] : memref<106496xi32, #tpu.memory_space<hbm>> -> memref<128xi32, #tpu.memory_space<hbm>>
      tpu.enqueue_dma source(%dma_start3A_85 : memref<128xi32, #tpu.memory_space<hbm>>) target(%dma_start3A_84 : memref<128xi32, #tpu.memory_space<vmem>>) target_semaphore(%run_scoped3A : memref<!tpu.dma_semaphore, #tpu.memory_space<semaphore_mem>>)
      %dma_wait3A = arith.constant 256 : i32
      %dma_wait3A_86 = tpu.memref_slice %arg12[%dma_wait3A] : memref<3328xi32, #tpu.memory_space<vmem>> -> memref<128xi32, #tpu.memory_space<vmem>>
      %dma_wait3A_87 = tpu.memref_slice %arg2[%add3A_8] : memref<106496xi32, #tpu.memory_space<hbm>> -> memref<128xi32, #tpu.memory_space<hbm>>
      %dma_wait3A_88 = arith.constant 256 : i32
      %dma_wait3A_89 = tpu.memref_slice %arg12[%dma_wait3A_88] : memref<3328xi32, #tpu.memory_space<vmem>> -> memref<128xi32, #tpu.memory_space<vmem>>
      %dma_wait3A_90 = tpu.memref_slice %arg2[%add3A_8] : memref<106496xi32, #tpu.memory_space<hbm>> -> memref<128xi32, #tpu.memory_space<hbm>>
      tpu.wait_dma2 semaphore(%run_scoped3A : memref<!tpu.dma_semaphore, #tpu.memory_space<semaphore_mem>>) src(%dma_wait3A_90 : memref<128xi32, #tpu.memory_space<hbm>>) dst(%dma_wait3A_89 : memref<128xi32, #tpu.memory_space<vmem>>)
      tpu.yield
    }) : () -> ()
    %add3A_9 = arith.constant 12288 : i32
    %add3A_10 = arith.addi %add3A_9, %mul3A_2 : i32
    "tpu.region"() ({
      %run_scoped3A = tpu.sem_alloc : memref<!tpu.dma_semaphore, #tpu.memory_space<semaphore_mem>>
      %dma_start3A = arith.constant 384 : i32
      %dma_start3A_81 = tpu.memref_slice %arg12[%dma_start3A] : memref<3328xi32, #tpu.memory_space<vmem>> -> memref<128xi32, #tpu.memory_space<vmem>>
      %dma_start3A_82 = tpu.memref_slice %arg2[%add3A_10] : memref<106496xi32, #tpu.memory_space<hbm>> -> memref<128xi32, #tpu.memory_space<hbm>>
      %dma_start3A_83 = arith.constant 384 : i32
      %dma_start3A_84 = tpu.memref_slice %arg12[%dma_start3A_83] : memref<3328xi32, #tpu.memory_space<vmem>> -> memref<128xi32, #tpu.memory_space<vmem>>
      %dma_start3A_85 = tpu.memref_slice %arg2[%add3A_10] : memref<106496xi32, #tpu.memory_space<hbm>> -> memref<128xi32, #tpu.memory_space<hbm>>
      tpu.enqueue_dma source(%dma_start3A_85 : memref<128xi32, #tpu.memory_space<hbm>>) target(%dma_start3A_84 : memref<128xi32, #tpu.memory_space<vmem>>) target_semaphore(%run_scoped3A : memref<!tpu.dma_semaphore, #tpu.memory_space<semaphore_mem>>)
      %dma_wait3A = arith.constant 384 : i32
      %dma_wait3A_86 = tpu.memref_slice %arg12[%dma_wait3A] : memref<3328xi32, #tpu.memory_space<vmem>> -> memref<128xi32, #tpu.memory_space<vmem>>
      %dma_wait3A_87 = tpu.memref_slice %arg2[%add3A_10] : memref<106496xi32, #tpu.memory_space<hbm>> -> memref<128xi32, #tpu.memory_space<hbm>>
      %dma_wait3A_88 = arith.constant 384 : i32
      %dma_wait3A_89 = tpu.memref_slice %arg12[%dma_wait3A_88] : memref<3328xi32, #tpu.memory_space<vmem>> -> memref<128xi32, #tpu.memory_space<vmem>>
      %dma_wait3A_90 = tpu.memref_slice %arg2[%add3A_10] : memref<106496xi32, #tpu.memory_space<hbm>> -> memref<128xi32, #tpu.memory_space<hbm>>
      tpu.wait_dma2 semaphore(%run_scoped3A : memref<!tpu.dma_semaphore, #tpu.memory_space<semaphore_mem>>) src(%dma_wait3A_90 : memref<128xi32, #tpu.memory_space<hbm>>) dst(%dma_wait3A_89 : memref<128xi32, #tpu.memory_space<vmem>>)
      tpu.yield
    }) : () -> ()
    %add3A_11 = arith.constant 16384 : i32
    %add3A_12 = arith.addi %add3A_11, %mul3A_2 : i32
    "tpu.region"() ({
      %run_scoped3A = tpu.sem_alloc : memref<!tpu.dma_semaphore, #tpu.memory_space<semaphore_mem>>
      %dma_start3A = arith.constant 512 : i32
      %dma_start3A_81 = tpu.memref_slice %arg12[%dma_start3A] : memref<3328xi32, #tpu.memory_space<vmem>> -> memref<128xi32, #tpu.memory_space<vmem>>
      %dma_start3A_82 = tpu.memref_slice %arg2[%add3A_12] : memref<106496xi32, #tpu.memory_space<hbm>> -> memref<128xi32, #tpu.memory_space<hbm>>
      %dma_start3A_83 = arith.constant 512 : i32
      %dma_start3A_84 = tpu.memref_slice %arg12[%dma_start3A_83] : memref<3328xi32, #tpu.memory_space<vmem>> -> memref<128xi32, #tpu.memory_space<vmem>>
      %dma_start3A_85 = tpu.memref_slice %arg2[%add3A_12] : memref<106496xi32, #tpu.memory_space<hbm>> -> memref<128xi32, #tpu.memory_space<hbm>>
      tpu.enqueue_dma source(%dma_start3A_85 : memref<128xi32, #tpu.memory_space<hbm>>) target(%dma_start3A_84 : memref<128xi32, #tpu.memory_space<vmem>>) target_semaphore(%run_scoped3A : memref<!tpu.dma_semaphore, #tpu.memory_space<semaphore_mem>>)
      %dma_wait3A = arith.constant 512 : i32
      %dma_wait3A_86 = tpu.memref_slice %arg12[%dma_wait3A] : memref<3328xi32, #tpu.memory_space<vmem>> -> memref<128xi32, #tpu.memory_space<vmem>>
      %dma_wait3A_87 = tpu.memref_slice %arg2[%add3A_12] : memref<106496xi32, #tpu.memory_space<hbm>> -> memref<128xi32, #tpu.memory_space<hbm>>
      %dma_wait3A_88 = arith.constant 512 : i32
      %dma_wait3A_89 = tpu.memref_slice %arg12[%dma_wait3A_88] : memref<3328xi32, #tpu.memory_space<vmem>> -> memref<128xi32, #tpu.memory_space<vmem>>
      %dma_wait3A_90 = tpu.memref_slice %arg2[%add3A_12] : memref<106496xi32, #tpu.memory_space<hbm>> -> memref<128xi32, #tpu.memory_space<hbm>>
      tpu.wait_dma2 semaphore(%run_scoped3A : memref<!tpu.dma_semaphore, #tpu.memory_space<semaphore_mem>>) src(%dma_wait3A_90 : memref<128xi32, #tpu.memory_space<hbm>>) dst(%dma_wait3A_89 : memref<128xi32, #tpu.memory_space<vmem>>)
      tpu.yield
    }) : () -> ()
    %add3A_13 = arith.constant 20480 : i32
    %add3A_14 = arith.addi %add3A_13, %mul3A_2 : i32
    "tpu.region"() ({
      %run_scoped3A = tpu.sem_alloc : memref<!tpu.dma_semaphore, #tpu.memory_space<semaphore_mem>>
      %dma_start3A = arith.constant 640 : i32
      %dma_start3A_81 = tpu.memref_slice %arg12[%dma_start3A] : memref<3328xi32, #tpu.memory_space<vmem>> -> memref<128xi32, #tpu.memory_space<vmem>>
      %dma_start3A_82 = tpu.memref_slice %arg2[%add3A_14] : memref<106496xi32, #tpu.memory_space<hbm>> -> memref<128xi32, #tpu.memory_space<hbm>>
      %dma_start3A_83 = arith.constant 640 : i32
      %dma_start3A_84 = tpu.memref_slice %arg12[%dma_start3A_83] : memref<3328xi32, #tpu.memory_space<vmem>> -> memref<128xi32, #tpu.memory_space<vmem>>
      %dma_start3A_85 = tpu.memref_slice %arg2[%add3A_14] : memref<106496xi32, #tpu.memory_space<hbm>> -> memref<128xi32, #tpu.memory_space<hbm>>
      tpu.enqueue_dma source(%dma_start3A_85 : memref<128xi32, #tpu.memory_space<hbm>>) target(%dma_start3A_84 : memref<128xi32, #tpu.memory_space<vmem>>) target_semaphore(%run_scoped3A : memref<!tpu.dma_semaphore, #tpu.memory_space<semaphore_mem>>)
      %dma_wait3A = arith.constant 640 : i32
      %dma_wait3A_86 = tpu.memref_slice %arg12[%dma_wait3A] : memref<3328xi32, #tpu.memory_space<vmem>> -> memref<128xi32, #tpu.memory_space<vmem>>
      %dma_wait3A_87 = tpu.memref_slice %arg2[%add3A_14] : memref<106496xi32, #tpu.memory_space<hbm>> -> memref<128xi32, #tpu.memory_space<hbm>>
      %dma_wait3A_88 = arith.constant 640 : i32
      %dma_wait3A_89 = tpu.memref_slice %arg12[%dma_wait3A_88] : memref<3328xi32, #tpu.memory_space<vmem>> -> memref<128xi32, #tpu.memory_space<vmem>>
      %dma_wait3A_90 = tpu.memref_slice %arg2[%add3A_14] : memref<106496xi32, #tpu.memory_space<hbm>> -> memref<128xi32, #tpu.memory_space<hbm>>
      tpu.wait_dma2 semaphore(%run_scoped3A : memref<!tpu.dma_semaphore, #tpu.memory_space<semaphore_mem>>) src(%dma_wait3A_90 : memref<128xi32, #tpu.memory_space<hbm>>) dst(%dma_wait3A_89 : memref<128xi32, #tpu.memory_space<vmem>>)
      tpu.yield
    }) : () -> ()
    %add3A_15 = arith.constant 24576 : i32
    %add3A_16 = arith.addi %add3A_15, %mul3A_2 : i32
    "tpu.region"() ({
      %run_scoped3A = tpu.sem_alloc : memref<!tpu.dma_semaphore, #tpu.memory_space<semaphore_mem>>
      %dma_start3A = arith.constant 768 : i32
      %dma_start3A_81 = tpu.memref_slice %arg12[%dma_start3A] : memref<3328xi32, #tpu.memory_space<vmem>> -> memref<128xi32, #tpu.memory_space<vmem>>
      %dma_start3A_82 = tpu.memref_slice %arg2[%add3A_16] : memref<106496xi32, #tpu.memory_space<hbm>> -> memref<128xi32, #tpu.memory_space<hbm>>
      %dma_start3A_83 = arith.constant 768 : i32
      %dma_start3A_84 = tpu.memref_slice %arg12[%dma_start3A_83] : memref<3328xi32, #tpu.memory_space<vmem>> -> memref<128xi32, #tpu.memory_space<vmem>>
      %dma_start3A_85 = tpu.memref_slice %arg2[%add3A_16] : memref<106496xi32, #tpu.memory_space<hbm>> -> memref<128xi32, #tpu.memory_space<hbm>>
      tpu.enqueue_dma source(%dma_start3A_85 : memref<128xi32, #tpu.memory_space<hbm>>) target(%dma_start3A_84 : memref<128xi32, #tpu.memory_space<vmem>>) target_semaphore(%run_scoped3A : memref<!tpu.dma_semaphore, #tpu.memory_space<semaphore_mem>>)
      %dma_wait3A = arith.constant 768 : i32
      %dma_wait3A_86 = tpu.memref_slice %arg12[%dma_wait3A] : memref<3328xi32, #tpu.memory_space<vmem>> -> memref<128xi32, #tpu.memory_space<vmem>>
      %dma_wait3A_87 = tpu.memref_slice %arg2[%add3A_16] : memref<106496xi32, #tpu.memory_space<hbm>> -> memref<128xi32, #tpu.memory_space<hbm>>
      %dma_wait3A_88 = arith.constant 768 : i32
      %dma_wait3A_89 = tpu.memref_slice %arg12[%dma_wait3A_88] : memref<3328xi32, #tpu.memory_space<vmem>> -> memref<128xi32, #tpu.memory_space<vmem>>
      %dma_wait3A_90 = tpu.memref_slice %arg2[%add3A_16] : memref<106496xi32, #tpu.memory_space<hbm>> -> memref<128xi32, #tpu.memory_space<hbm>>
      tpu.wait_dma2 semaphore(%run_scoped3A : memref<!tpu.dma_semaphore, #tpu.memory_space<semaphore_mem>>) src(%dma_wait3A_90 : memref<128xi32, #tpu.memory_space<hbm>>) dst(%dma_wait3A_89 : memref<128xi32, #tpu.memory_space<vmem>>)
      tpu.yield
    }) : () -> ()
    %add3A_17 = arith.constant 28672 : i32
    %add3A_18 = arith.addi %add3A_17, %mul3A_2 : i32
    "tpu.region"() ({
      %run_scoped3A = tpu.sem_alloc : memref<!tpu.dma_semaphore, #tpu.memory_space<semaphore_mem>>
      %dma_start3A = arith.constant 896 : i32
      %dma_start3A_81 = tpu.memref_slice %arg12[%dma_start3A] : memref<3328xi32, #tpu.memory_space<vmem>> -> memref<128xi32, #tpu.memory_space<vmem>>
      %dma_start3A_82 = tpu.memref_slice %arg2[%add3A_18] : memref<106496xi32, #tpu.memory_space<hbm>> -> memref<128xi32, #tpu.memory_space<hbm>>
      %dma_start3A_83 = arith.constant 896 : i32
      %dma_start3A_84 = tpu.memref_slice %arg12[%dma_start3A_83] : memref<3328xi32, #tpu.memory_space<vmem>> -> memref<128xi32, #tpu.memory_space<vmem>>
      %dma_start3A_85 = tpu.memref_slice %arg2[%add3A_18] : memref<106496xi32, #tpu.memory_space<hbm>> -> memref<128xi32, #tpu.memory_space<hbm>>
      tpu.enqueue_dma source(%dma_start3A_85 : memref<128xi32, #tpu.memory_space<hbm>>) target(%dma_start3A_84 : memref<128xi32, #tpu.memory_space<vmem>>) target_semaphore(%run_scoped3A : memref<!tpu.dma_semaphore, #tpu.memory_space<semaphore_mem>>)
      %dma_wait3A = arith.constant 896 : i32
      %dma_wait3A_86 = tpu.memref_slice %arg12[%dma_wait3A] : memref<3328xi32, #tpu.memory_space<vmem>> -> memref<128xi32, #tpu.memory_space<vmem>>
      %dma_wait3A_87 = tpu.memref_slice %arg2[%add3A_18] : memref<106496xi32, #tpu.memory_space<hbm>> -> memref<128xi32, #tpu.memory_space<hbm>>
      %dma_wait3A_88 = arith.constant 896 : i32
      %dma_wait3A_89 = tpu.memref_slice %arg12[%dma_wait3A_88] : memref<3328xi32, #tpu.memory_space<vmem>> -> memref<128xi32, #tpu.memory_space<vmem>>
      %dma_wait3A_90 = tpu.memref_slice %arg2[%add3A_18] : memref<106496xi32, #tpu.memory_space<hbm>> -> memref<128xi32, #tpu.memory_space<hbm>>
      tpu.wait_dma2 semaphore(%run_scoped3A : memref<!tpu.dma_semaphore, #tpu.memory_space<semaphore_mem>>) src(%dma_wait3A_90 : memref<128xi32, #tpu.memory_space<hbm>>) dst(%dma_wait3A_89 : memref<128xi32, #tpu.memory_space<vmem>>)
      tpu.yield
    }) : () -> ()
    %add3A_19 = arith.constant 32768 : i32
    %add3A_20 = arith.addi %add3A_19, %mul3A_2 : i32
    "tpu.region"() ({
      %run_scoped3A = tpu.sem_alloc : memref<!tpu.dma_semaphore, #tpu.memory_space<semaphore_mem>>
      %dma_start3A = arith.constant 1024 : i32
      %dma_start3A_81 = tpu.memref_slice %arg12[%dma_start3A] : memref<3328xi32, #tpu.memory_space<vmem>> -> memref<128xi32, #tpu.memory_space<vmem>>
      %dma_start3A_82 = tpu.memref_slice %arg2[%add3A_20] : memref<106496xi32, #tpu.memory_space<hbm>> -> memref<128xi32, #tpu.memory_space<hbm>>
      %dma_start3A_83 = arith.constant 1024 : i32
      %dma_start3A_84 = tpu.memref_slice %arg12[%dma_start3A_83] : memref<3328xi32, #tpu.memory_space<vmem>> -> memref<128xi32, #tpu.memory_space<vmem>>
      %dma_start3A_85 = tpu.memref_slice %arg2[%add3A_20] : memref<106496xi32, #tpu.memory_space<hbm>> -> memref<128xi32, #tpu.memory_space<hbm>>
      tpu.enqueue_dma source(%dma_start3A_85 : memref<128xi32, #tpu.memory_space<hbm>>) target(%dma_start3A_84 : memref<128xi32, #tpu.memory_space<vmem>>) target_semaphore(%run_scoped3A : memref<!tpu.dma_semaphore, #tpu.memory_space<semaphore_mem>>)
      %dma_wait3A = arith.constant 1024 : i32
      %dma_wait3A_86 = tpu.memref_slice %arg12[%dma_wait3A] : memref<3328xi32, #tpu.memory_space<vmem>> -> memref<128xi32, #tpu.memory_space<vmem>>
      %dma_wait3A_87 = tpu.memref_slice %arg2[%add3A_20] : memref<106496xi32, #tpu.memory_space<hbm>> -> memref<128xi32, #tpu.memory_space<hbm>>
      %dma_wait3A_88 = arith.constant 1024 : i32
      %dma_wait3A_89 = tpu.memref_slice %arg12[%dma_wait3A_88] : memref<3328xi32, #tpu.memory_space<vmem>> -> memref<128xi32, #tpu.memory_space<vmem>>
      %dma_wait3A_90 = tpu.memref_slice %arg2[%add3A_20] : memref<106496xi32, #tpu.memory_space<hbm>> -> memref<128xi32, #tpu.memory_space<hbm>>
      tpu.wait_dma2 semaphore(%run_scoped3A : memref<!tpu.dma_semaphore, #tpu.memory_space<semaphore_mem>>) src(%dma_wait3A_90 : memref<128xi32, #tpu.memory_space<hbm>>) dst(%dma_wait3A_89 : memref<128xi32, #tpu.memory_space<vmem>>)
      tpu.yield
    }) : () -> ()
    %add3A_21 = arith.constant 36864 : i32
    %add3A_22 = arith.addi %add3A_21, %mul3A_2 : i32
    "tpu.region"() ({
      %run_scoped3A = tpu.sem_alloc : memref<!tpu.dma_semaphore, #tpu.memory_space<semaphore_mem>>
      %dma_start3A = arith.constant 1152 : i32
      %dma_start3A_81 = tpu.memref_slice %arg12[%dma_start3A] : memref<3328xi32, #tpu.memory_space<vmem>> -> memref<128xi32, #tpu.memory_space<vmem>>
      %dma_start3A_82 = tpu.memref_slice %arg2[%add3A_22] : memref<106496xi32, #tpu.memory_space<hbm>> -> memref<128xi32, #tpu.memory_space<hbm>>
      %dma_start3A_83 = arith.constant 1152 : i32
      %dma_start3A_84 = tpu.memref_slice %arg12[%dma_start3A_83] : memref<3328xi32, #tpu.memory_space<vmem>> -> memref<128xi32, #tpu.memory_space<vmem>>
      %dma_start3A_85 = tpu.memref_slice %arg2[%add3A_22] : memref<106496xi32, #tpu.memory_space<hbm>> -> memref<128xi32, #tpu.memory_space<hbm>>
      tpu.enqueue_dma source(%dma_start3A_85 : memref<128xi32, #tpu.memory_space<hbm>>) target(%dma_start3A_84 : memref<128xi32, #tpu.memory_space<vmem>>) target_semaphore(%run_scoped3A : memref<!tpu.dma_semaphore, #tpu.memory_space<semaphore_mem>>)
      %dma_wait3A = arith.constant 1152 : i32
      %dma_wait3A_86 = tpu.memref_slice %arg12[%dma_wait3A] : memref<3328xi32, #tpu.memory_space<vmem>> -> memref<128xi32, #tpu.memory_space<vmem>>
      %dma_wait3A_87 = tpu.memref_slice %arg2[%add3A_22] : memref<106496xi32, #tpu.memory_space<hbm>> -> memref<128xi32, #tpu.memory_space<hbm>>
      %dma_wait3A_88 = arith.constant 1152 : i32
      %dma_wait3A_89 = tpu.memref_slice %arg12[%dma_wait3A_88] : memref<3328xi32, #tpu.memory_space<vmem>> -> memref<128xi32, #tpu.memory_space<vmem>>
      %dma_wait3A_90 = tpu.memref_slice %arg2[%add3A_22] : memref<106496xi32, #tpu.memory_space<hbm>> -> memref<128xi32, #tpu.memory_space<hbm>>
      tpu.wait_dma2 semaphore(%run_scoped3A : memref<!tpu.dma_semaphore, #tpu.memory_space<semaphore_mem>>) src(%dma_wait3A_90 : memref<128xi32, #tpu.memory_space<hbm>>) dst(%dma_wait3A_89 : memref<128xi32, #tpu.memory_space<vmem>>)
      tpu.yield
    }) : () -> ()
    %add3A_23 = arith.constant 40960 : i32
    %add3A_24 = arith.addi %add3A_23, %mul3A_2 : i32
    "tpu.region"() ({
      %run_scoped3A = tpu.sem_alloc : memref<!tpu.dma_semaphore, #tpu.memory_space<semaphore_mem>>
      %dma_start3A = arith.constant 1280 : i32
      %dma_start3A_81 = tpu.memref_slice %arg12[%dma_start3A] : memref<3328xi32, #tpu.memory_space<vmem>> -> memref<128xi32, #tpu.memory_space<vmem>>
      %dma_start3A_82 = tpu.memref_slice %arg2[%add3A_24] : memref<106496xi32, #tpu.memory_space<hbm>> -> memref<128xi32, #tpu.memory_space<hbm>>
      %dma_start3A_83 = arith.constant 1280 : i32
      %dma_start3A_84 = tpu.memref_slice %arg12[%dma_start3A_83] : memref<3328xi32, #tpu.memory_space<vmem>> -> memref<128xi32, #tpu.memory_space<vmem>>
      %dma_start3A_85 = tpu.memref_slice %arg2[%add3A_24] : memref<106496xi32, #tpu.memory_space<hbm>> -> memref<128xi32, #tpu.memory_space<hbm>>
      tpu.enqueue_dma source(%dma_start3A_85 : memref<128xi32, #tpu.memory_space<hbm>>) target(%dma_start3A_84 : memref<128xi32, #tpu.memory_space<vmem>>) target_semaphore(%run_scoped3A : memref<!tpu.dma_semaphore, #tpu.memory_space<semaphore_mem>>)
      %dma_wait3A = arith.constant 1280 : i32
      %dma_wait3A_86 = tpu.memref_slice %arg12[%dma_wait3A] : memref<3328xi32, #tpu.memory_space<vmem>> -> memref<128xi32, #tpu.memory_space<vmem>>
      %dma_wait3A_87 = tpu.memref_slice %arg2[%add3A_24] : memref<106496xi32, #tpu.memory_space<hbm>> -> memref<128xi32, #tpu.memory_space<hbm>>
      %dma_wait3A_88 = arith.constant 1280 : i32
      %dma_wait3A_89 = tpu.memref_slice %arg12[%dma_wait3A_88] : memref<3328xi32, #tpu.memory_space<vmem>> -> memref<128xi32, #tpu.memory_space<vmem>>
      %dma_wait3A_90 = tpu.memref_slice %arg2[%add3A_24] : memref<106496xi32, #tpu.memory_space<hbm>> -> memref<128xi32, #tpu.memory_space<hbm>>
      tpu.wait_dma2 semaphore(%run_scoped3A : memref<!tpu.dma_semaphore, #tpu.memory_space<semaphore_mem>>) src(%dma_wait3A_90 : memref<128xi32, #tpu.memory_space<hbm>>) dst(%dma_wait3A_89 : memref<128xi32, #tpu.memory_space<vmem>>)
      tpu.yield
    }) : () -> ()
    %add3A_25 = arith.constant 45056 : i32
    %add3A_26 = arith.addi %add3A_25, %mul3A_2 : i32
    "tpu.region"() ({
      %run_scoped3A = tpu.sem_alloc : memref<!tpu.dma_semaphore, #tpu.memory_space<semaphore_mem>>
      %dma_start3A = arith.constant 1408 : i32
      %dma_start3A_81 = tpu.memref_slice %arg12[%dma_start3A] : memref<3328xi32, #tpu.memory_space<vmem>> -> memref<128xi32, #tpu.memory_space<vmem>>
      %dma_start3A_82 = tpu.memref_slice %arg2[%add3A_26] : memref<106496xi32, #tpu.memory_space<hbm>> -> memref<128xi32, #tpu.memory_space<hbm>>
      %dma_start3A_83 = arith.constant 1408 : i32
      %dma_start3A_84 = tpu.memref_slice %arg12[%dma_start3A_83] : memref<3328xi32, #tpu.memory_space<vmem>> -> memref<128xi32, #tpu.memory_space<vmem>>
      %dma_start3A_85 = tpu.memref_slice %arg2[%add3A_26] : memref<106496xi32, #tpu.memory_space<hbm>> -> memref<128xi32, #tpu.memory_space<hbm>>
      tpu.enqueue_dma source(%dma_start3A_85 : memref<128xi32, #tpu.memory_space<hbm>>) target(%dma_start3A_84 : memref<128xi32, #tpu.memory_space<vmem>>) target_semaphore(%run_scoped3A : memref<!tpu.dma_semaphore, #tpu.memory_space<semaphore_mem>>)
      %dma_wait3A = arith.constant 1408 : i32
      %dma_wait3A_86 = tpu.memref_slice %arg12[%dma_wait3A] : memref<3328xi32, #tpu.memory_space<vmem>> -> memref<128xi32, #tpu.memory_space<vmem>>
      %dma_wait3A_87 = tpu.memref_slice %arg2[%add3A_26] : memref<106496xi32, #tpu.memory_space<hbm>> -> memref<128xi32, #tpu.memory_space<hbm>>
      %dma_wait3A_88 = arith.constant 1408 : i32
      %dma_wait3A_89 = tpu.memref_slice %arg12[%dma_wait3A_88] : memref<3328xi32, #tpu.memory_space<vmem>> -> memref<128xi32, #tpu.memory_space<vmem>>
      %dma_wait3A_90 = tpu.memref_slice %arg2[%add3A_26] : memref<106496xi32, #tpu.memory_space<hbm>> -> memref<128xi32, #tpu.memory_space<hbm>>
      tpu.wait_dma2 semaphore(%run_scoped3A : memref<!tpu.dma_semaphore, #tpu.memory_space<semaphore_mem>>) src(%dma_wait3A_90 : memref<128xi32, #tpu.memory_space<hbm>>) dst(%dma_wait3A_89 : memref<128xi32, #tpu.memory_space<vmem>>)
      tpu.yield
    }) : () -> ()
    %add3A_27 = arith.constant 49152 : i32
    %add3A_28 = arith.addi %add3A_27, %mul3A_2 : i32
    "tpu.region"() ({
      %run_scoped3A = tpu.sem_alloc : memref<!tpu.dma_semaphore, #tpu.memory_space<semaphore_mem>>
      %dma_start3A = arith.constant 1536 : i32
      %dma_start3A_81 = tpu.memref_slice %arg12[%dma_start3A] : memref<3328xi32, #tpu.memory_space<vmem>> -> memref<128xi32, #tpu.memory_space<vmem>>
      %dma_start3A_82 = tpu.memref_slice %arg2[%add3A_28] : memref<106496xi32, #tpu.memory_space<hbm>> -> memref<128xi32, #tpu.memory_space<hbm>>
      %dma_start3A_83 = arith.constant 1536 : i32
      %dma_start3A_84 = tpu.memref_slice %arg12[%dma_start3A_83] : memref<3328xi32, #tpu.memory_space<vmem>> -> memref<128xi32, #tpu.memory_space<vmem>>
      %dma_start3A_85 = tpu.memref_slice %arg2[%add3A_28] : memref<106496xi32, #tpu.memory_space<hbm>> -> memref<128xi32, #tpu.memory_space<hbm>>
      tpu.enqueue_dma source(%dma_start3A_85 : memref<128xi32, #tpu.memory_space<hbm>>) target(%dma_start3A_84 : memref<128xi32, #tpu.memory_space<vmem>>) target_semaphore(%run_scoped3A : memref<!tpu.dma_semaphore, #tpu.memory_space<semaphore_mem>>)
      %dma_wait3A = arith.constant 1536 : i32
      %dma_wait3A_86 = tpu.memref_slice %arg12[%dma_wait3A] : memref<3328xi32, #tpu.memory_space<vmem>> -> memref<128xi32, #tpu.memory_space<vmem>>
      %dma_wait3A_87 = tpu.memref_slice %arg2[%add3A_28] : memref<106496xi32, #tpu.memory_space<hbm>> -> memref<128xi32, #tpu.memory_space<hbm>>
      %dma_wait3A_88 = arith.constant 1536 : i32
      %dma_wait3A_89 = tpu.memref_slice %arg12[%dma_wait3A_88] : memref<3328xi32, #tpu.memory_space<vmem>> -> memref<128xi32, #tpu.memory_space<vmem>>
      %dma_wait3A_90 = tpu.memref_slice %arg2[%add3A_28] : memref<106496xi32, #tpu.memory_space<hbm>> -> memref<128xi32, #tpu.memory_space<hbm>>
      tpu.wait_dma2 semaphore(%run_scoped3A : memref<!tpu.dma_semaphore, #tpu.memory_space<semaphore_mem>>) src(%dma_wait3A_90 : memref<128xi32, #tpu.memory_space<hbm>>) dst(%dma_wait3A_89 : memref<128xi32, #tpu.memory_space<vmem>>)
      tpu.yield
    }) : () -> ()
    %add3A_29 = arith.constant 53248 : i32
    %add3A_30 = arith.addi %add3A_29, %mul3A_2 : i32
    "tpu.region"() ({
      %run_scoped3A = tpu.sem_alloc : memref<!tpu.dma_semaphore, #tpu.memory_space<semaphore_mem>>
      %dma_start3A = arith.constant 1664 : i32
      %dma_start3A_81 = tpu.memref_slice %arg12[%dma_start3A] : memref<3328xi32, #tpu.memory_space<vmem>> -> memref<128xi32, #tpu.memory_space<vmem>>
      %dma_start3A_82 = tpu.memref_slice %arg2[%add3A_30] : memref<106496xi32, #tpu.memory_space<hbm>> -> memref<128xi32, #tpu.memory_space<hbm>>
      %dma_start3A_83 = arith.constant 1664 : i32
      %dma_start3A_84 = tpu.memref_slice %arg12[%dma_start3A_83] : memref<3328xi32, #tpu.memory_space<vmem>> -> memref<128xi32, #tpu.memory_space<vmem>>
      %dma_start3A_85 = tpu.memref_slice %arg2[%add3A_30] : memref<106496xi32, #tpu.memory_space<hbm>> -> memref<128xi32, #tpu.memory_space<hbm>>
      tpu.enqueue_dma source(%dma_start3A_85 : memref<128xi32, #tpu.memory_space<hbm>>) target(%dma_start3A_84 : memref<128xi32, #tpu.memory_space<vmem>>) target_semaphore(%run_scoped3A : memref<!tpu.dma_semaphore, #tpu.memory_space<semaphore_mem>>)
      %dma_wait3A = arith.constant 1664 : i32
      %dma_wait3A_86 = tpu.memref_slice %arg12[%dma_wait3A] : memref<3328xi32, #tpu.memory_space<vmem>> -> memref<128xi32, #tpu.memory_space<vmem>>
      %dma_wait3A_87 = tpu.memref_slice %arg2[%add3A_30] : memref<106496xi32, #tpu.memory_space<hbm>> -> memref<128xi32, #tpu.memory_space<hbm>>
      %dma_wait3A_88 = arith.constant 1664 : i32
      %dma_wait3A_89 = tpu.memref_slice %arg12[%dma_wait3A_88] : memref<3328xi32, #tpu.memory_space<vmem>> -> memref<128xi32, #tpu.memory_space<vmem>>
      %dma_wait3A_90 = tpu.memref_slice %arg2[%add3A_30] : memref<106496xi32, #tpu.memory_space<hbm>> -> memref<128xi32, #tpu.memory_space<hbm>>
      tpu.wait_dma2 semaphore(%run_scoped3A : memref<!tpu.dma_semaphore, #tpu.memory_space<semaphore_mem>>) src(%dma_wait3A_90 : memref<128xi32, #tpu.memory_space<hbm>>) dst(%dma_wait3A_89 : memref<128xi32, #tpu.memory_space<vmem>>)
      tpu.yield
    }) : () -> ()
    %add3A_31 = arith.constant 57344 : i32
    %add3A_32 = arith.addi %add3A_31, %mul3A_2 : i32
    "tpu.region"() ({
      %run_scoped3A = tpu.sem_alloc : memref<!tpu.dma_semaphore, #tpu.memory_space<semaphore_mem>>
      %dma_start3A = arith.constant 1792 : i32
      %dma_start3A_81 = tpu.memref_slice %arg12[%dma_start3A] : memref<3328xi32, #tpu.memory_space<vmem>> -> memref<128xi32, #tpu.memory_space<vmem>>
      %dma_start3A_82 = tpu.memref_slice %arg2[%add3A_32] : memref<106496xi32, #tpu.memory_space<hbm>> -> memref<128xi32, #tpu.memory_space<hbm>>
      %dma_start3A_83 = arith.constant 1792 : i32
      %dma_start3A_84 = tpu.memref_slice %arg12[%dma_start3A_83] : memref<3328xi32, #tpu.memory_space<vmem>> -> memref<128xi32, #tpu.memory_space<vmem>>
      %dma_start3A_85 = tpu.memref_slice %arg2[%add3A_32] : memref<106496xi32, #tpu.memory_space<hbm>> -> memref<128xi32, #tpu.memory_space<hbm>>
      tpu.enqueue_dma source(%dma_start3A_85 : memref<128xi32, #tpu.memory_space<hbm>>) target(%dma_start3A_84 : memref<128xi32, #tpu.memory_space<vmem>>) target_semaphore(%run_scoped3A : memref<!tpu.dma_semaphore, #tpu.memory_space<semaphore_mem>>)
      %dma_wait3A = arith.constant 1792 : i32
      %dma_wait3A_86 = tpu.memref_slice %arg12[%dma_wait3A] : memref<3328xi32, #tpu.memory_space<vmem>> -> memref<128xi32, #tpu.memory_space<vmem>>
      %dma_wait3A_87 = tpu.memref_slice %arg2[%add3A_32] : memref<106496xi32, #tpu.memory_space<hbm>> -> memref<128xi32, #tpu.memory_space<hbm>>
      %dma_wait3A_88 = arith.constant 1792 : i32
      %dma_wait3A_89 = tpu.memref_slice %arg12[%dma_wait3A_88] : memref<3328xi32, #tpu.memory_space<vmem>> -> memref<128xi32, #tpu.memory_space<vmem>>
      %dma_wait3A_90 = tpu.memref_slice %arg2[%add3A_32] : memref<106496xi32, #tpu.memory_space<hbm>> -> memref<128xi32, #tpu.memory_space<hbm>>
      tpu.wait_dma2 semaphore(%run_scoped3A : memref<!tpu.dma_semaphore, #tpu.memory_space<semaphore_mem>>) src(%dma_wait3A_90 : memref<128xi32, #tpu.memory_space<hbm>>) dst(%dma_wait3A_89 : memref<128xi32, #tpu.memory_space<vmem>>)
      tpu.yield
    }) : () -> ()
    %add3A_33 = arith.constant 61440 : i32
    %add3A_34 = arith.addi %add3A_33, %mul3A_2 : i32
    "tpu.region"() ({
      %run_scoped3A = tpu.sem_alloc : memref<!tpu.dma_semaphore, #tpu.memory_space<semaphore_mem>>
      %dma_start3A = arith.constant 1920 : i32
      %dma_start3A_81 = tpu.memref_slice %arg12[%dma_start3A] : memref<3328xi32, #tpu.memory_space<vmem>> -> memref<128xi32, #tpu.memory_space<vmem>>
      %dma_start3A_82 = tpu.memref_slice %arg2[%add3A_34] : memref<106496xi32, #tpu.memory_space<hbm>> -> memref<128xi32, #tpu.memory_space<hbm>>
      %dma_start3A_83 = arith.constant 1920 : i32
      %dma_start3A_84 = tpu.memref_slice %arg12[%dma_start3A_83] : memref<3328xi32, #tpu.memory_space<vmem>> -> memref<128xi32, #tpu.memory_space<vmem>>
      %dma_start3A_85 = tpu.memref_slice %arg2[%add3A_34] : memref<106496xi32, #tpu.memory_space<hbm>> -> memref<128xi32, #tpu.memory_space<hbm>>
      tpu.enqueue_dma source(%dma_start3A_85 : memref<128xi32, #tpu.memory_space<hbm>>) target(%dma_start3A_84 : memref<128xi32, #tpu.memory_space<vmem>>) target_semaphore(%run_scoped3A : memref<!tpu.dma_semaphore, #tpu.memory_space<semaphore_mem>>)
      %dma_wait3A = arith.constant 1920 : i32
      %dma_wait3A_86 = tpu.memref_slice %arg12[%dma_wait3A] : memref<3328xi32, #tpu.memory_space<vmem>> -> memref<128xi32, #tpu.memory_space<vmem>>
      %dma_wait3A_87 = tpu.memref_slice %arg2[%add3A_34] : memref<106496xi32, #tpu.memory_space<hbm>> -> memref<128xi32, #tpu.memory_space<hbm>>
      %dma_wait3A_88 = arith.constant 1920 : i32
      %dma_wait3A_89 = tpu.memref_slice %arg12[%dma_wait3A_88] : memref<3328xi32, #tpu.memory_space<vmem>> -> memref<128xi32, #tpu.memory_space<vmem>>
      %dma_wait3A_90 = tpu.memref_slice %arg2[%add3A_34] : memref<106496xi32, #tpu.memory_space<hbm>> -> memref<128xi32, #tpu.memory_space<hbm>>
      tpu.wait_dma2 semaphore(%run_scoped3A : memref<!tpu.dma_semaphore, #tpu.memory_space<semaphore_mem>>) src(%dma_wait3A_90 : memref<128xi32, #tpu.memory_space<hbm>>) dst(%dma_wait3A_89 : memref<128xi32, #tpu.memory_space<vmem>>)
      tpu.yield
    }) : () -> ()
    %add3A_35 = arith.constant 65536 : i32
    %add3A_36 = arith.addi %add3A_35, %mul3A_2 : i32
    "tpu.region"() ({
      %run_scoped3A = tpu.sem_alloc : memref<!tpu.dma_semaphore, #tpu.memory_space<semaphore_mem>>
      %dma_start3A = arith.constant 2048 : i32
      %dma_start3A_81 = tpu.memref_slice %arg12[%dma_start3A] : memref<3328xi32, #tpu.memory_space<vmem>> -> memref<128xi32, #tpu.memory_space<vmem>>
      %dma_start3A_82 = tpu.memref_slice %arg2[%add3A_36] : memref<106496xi32, #tpu.memory_space<hbm>> -> memref<128xi32, #tpu.memory_space<hbm>>
      %dma_start3A_83 = arith.constant 2048 : i32
      %dma_start3A_84 = tpu.memref_slice %arg12[%dma_start3A_83] : memref<3328xi32, #tpu.memory_space<vmem>> -> memref<128xi32, #tpu.memory_space<vmem>>
      %dma_start3A_85 = tpu.memref_slice %arg2[%add3A_36] : memref<106496xi32, #tpu.memory_space<hbm>> -> memref<128xi32, #tpu.memory_space<hbm>>
      tpu.enqueue_dma source(%dma_start3A_85 : memref<128xi32, #tpu.memory_space<hbm>>) target(%dma_start3A_84 : memref<128xi32, #tpu.memory_space<vmem>>) target_semaphore(%run_scoped3A : memref<!tpu.dma_semaphore, #tpu.memory_space<semaphore_mem>>)
      %dma_wait3A = arith.constant 2048 : i32
      %dma_wait3A_86 = tpu.memref_slice %arg12[%dma_wait3A] : memref<3328xi32, #tpu.memory_space<vmem>> -> memref<128xi32, #tpu.memory_space<vmem>>
      %dma_wait3A_87 = tpu.memref_slice %arg2[%add3A_36] : memref<106496xi32, #tpu.memory_space<hbm>> -> memref<128xi32, #tpu.memory_space<hbm>>
      %dma_wait3A_88 = arith.constant 2048 : i32
      %dma_wait3A_89 = tpu.memref_slice %arg12[%dma_wait3A_88] : memref<3328xi32, #tpu.memory_space<vmem>> -> memref<128xi32, #tpu.memory_space<vmem>>
      %dma_wait3A_90 = tpu.memref_slice %arg2[%add3A_36] : memref<106496xi32, #tpu.memory_space<hbm>> -> memref<128xi32, #tpu.memory_space<hbm>>
      tpu.wait_dma2 semaphore(%run_scoped3A : memref<!tpu.dma_semaphore, #tpu.memory_space<semaphore_mem>>) src(%dma_wait3A_90 : memref<128xi32, #tpu.memory_space<hbm>>) dst(%dma_wait3A_89 : memref<128xi32, #tpu.memory_space<vmem>>)
      tpu.yield
    }) : () -> ()
    %add3A_37 = arith.constant 69632 : i32
    %add3A_38 = arith.addi %add3A_37, %mul3A_2 : i32
    "tpu.region"() ({
      %run_scoped3A = tpu.sem_alloc : memref<!tpu.dma_semaphore, #tpu.memory_space<semaphore_mem>>
      %dma_start3A = arith.constant 2176 : i32
      %dma_start3A_81 = tpu.memref_slice %arg12[%dma_start3A] : memref<3328xi32, #tpu.memory_space<vmem>> -> memref<128xi32, #tpu.memory_space<vmem>>
      %dma_start3A_82 = tpu.memref_slice %arg2[%add3A_38] : memref<106496xi32, #tpu.memory_space<hbm>> -> memref<128xi32, #tpu.memory_space<hbm>>
      %dma_start3A_83 = arith.constant 2176 : i32
      %dma_start3A_84 = tpu.memref_slice %arg12[%dma_start3A_83] : memref<3328xi32, #tpu.memory_space<vmem>> -> memref<128xi32, #tpu.memory_space<vmem>>
      %dma_start3A_85 = tpu.memref_slice %arg2[%add3A_38] : memref<106496xi32, #tpu.memory_space<hbm>> -> memref<128xi32, #tpu.memory_space<hbm>>
      tpu.enqueue_dma source(%dma_start3A_85 : memref<128xi32, #tpu.memory_space<hbm>>) target(%dma_start3A_84 : memref<128xi32, #tpu.memory_space<vmem>>) target_semaphore(%run_scoped3A : memref<!tpu.dma_semaphore, #tpu.memory_space<semaphore_mem>>)
      %dma_wait3A = arith.constant 2176 : i32
      %dma_wait3A_86 = tpu.memref_slice %arg12[%dma_wait3A] : memref<3328xi32, #tpu.memory_space<vmem>> -> memref<128xi32, #tpu.memory_space<vmem>>
      %dma_wait3A_87 = tpu.memref_slice %arg2[%add3A_38] : memref<106496xi32, #tpu.memory_space<hbm>> -> memref<128xi32, #tpu.memory_space<hbm>>
      %dma_wait3A_88 = arith.constant 2176 : i32
      %dma_wait3A_89 = tpu.memref_slice %arg12[%dma_wait3A_88] : memref<3328xi32, #tpu.memory_space<vmem>> -> memref<128xi32, #tpu.memory_space<vmem>>
      %dma_wait3A_90 = tpu.memref_slice %arg2[%add3A_38] : memref<106496xi32, #tpu.memory_space<hbm>> -> memref<128xi32, #tpu.memory_space<hbm>>
      tpu.wait_dma2 semaphore(%run_scoped3A : memref<!tpu.dma_semaphore, #tpu.memory_space<semaphore_mem>>) src(%dma_wait3A_90 : memref<128xi32, #tpu.memory_space<hbm>>) dst(%dma_wait3A_89 : memref<128xi32, #tpu.memory_space<vmem>>)
      tpu.yield
    }) : () -> ()
    %add3A_39 = arith.constant 73728 : i32
    %add3A_40 = arith.addi %add3A_39, %mul3A_2 : i32
    "tpu.region"() ({
      %run_scoped3A = tpu.sem_alloc : memref<!tpu.dma_semaphore, #tpu.memory_space<semaphore_mem>>
      %dma_start3A = arith.constant 2304 : i32
      %dma_start3A_81 = tpu.memref_slice %arg12[%dma_start3A] : memref<3328xi32, #tpu.memory_space<vmem>> -> memref<128xi32, #tpu.memory_space<vmem>>
      %dma_start3A_82 = tpu.memref_slice %arg2[%add3A_40] : memref<106496xi32, #tpu.memory_space<hbm>> -> memref<128xi32, #tpu.memory_space<hbm>>
      %dma_start3A_83 = arith.constant 2304 : i32
      %dma_start3A_84 = tpu.memref_slice %arg12[%dma_start3A_83] : memref<3328xi32, #tpu.memory_space<vmem>> -> memref<128xi32, #tpu.memory_space<vmem>>
      %dma_start3A_85 = tpu.memref_slice %arg2[%add3A_40] : memref<106496xi32, #tpu.memory_space<hbm>> -> memref<128xi32, #tpu.memory_space<hbm>>
      tpu.enqueue_dma source(%dma_start3A_85 : memref<128xi32, #tpu.memory_space<hbm>>) target(%dma_start3A_84 : memref<128xi32, #tpu.memory_space<vmem>>) target_semaphore(%run_scoped3A : memref<!tpu.dma_semaphore, #tpu.memory_space<semaphore_mem>>)
      %dma_wait3A = arith.constant 2304 : i32
      %dma_wait3A_86 = tpu.memref_slice %arg12[%dma_wait3A] : memref<3328xi32, #tpu.memory_space<vmem>> -> memref<128xi32, #tpu.memory_space<vmem>>
      %dma_wait3A_87 = tpu.memref_slice %arg2[%add3A_40] : memref<106496xi32, #tpu.memory_space<hbm>> -> memref<128xi32, #tpu.memory_space<hbm>>
      %dma_wait3A_88 = arith.constant 2304 : i32
      %dma_wait3A_89 = tpu.memref_slice %arg12[%dma_wait3A_88] : memref<3328xi32, #tpu.memory_space<vmem>> -> memref<128xi32, #tpu.memory_space<vmem>>
      %dma_wait3A_90 = tpu.memref_slice %arg2[%add3A_40] : memref<106496xi32, #tpu.memory_space<hbm>> -> memref<128xi32, #tpu.memory_space<hbm>>
      tpu.wait_dma2 semaphore(%run_scoped3A : memref<!tpu.dma_semaphore, #tpu.memory_space<semaphore_mem>>) src(%dma_wait3A_90 : memref<128xi32, #tpu.memory_space<hbm>>) dst(%dma_wait3A_89 : memref<128xi32, #tpu.memory_space<vmem>>)
      tpu.yield
    }) : () -> ()
    %add3A_41 = arith.constant 77824 : i32
    %add3A_42 = arith.addi %add3A_41, %mul3A_2 : i32
    "tpu.region"() ({
      %run_scoped3A = tpu.sem_alloc : memref<!tpu.dma_semaphore, #tpu.memory_space<semaphore_mem>>
      %dma_start3A = arith.constant 2432 : i32
      %dma_start3A_81 = tpu.memref_slice %arg12[%dma_start3A] : memref<3328xi32, #tpu.memory_space<vmem>> -> memref<128xi32, #tpu.memory_space<vmem>>
      %dma_start3A_82 = tpu.memref_slice %arg2[%add3A_42] : memref<106496xi32, #tpu.memory_space<hbm>> -> memref<128xi32, #tpu.memory_space<hbm>>
      %dma_start3A_83 = arith.constant 2432 : i32
      %dma_start3A_84 = tpu.memref_slice %arg12[%dma_start3A_83] : memref<3328xi32, #tpu.memory_space<vmem>> -> memref<128xi32, #tpu.memory_space<vmem>>
      %dma_start3A_85 = tpu.memref_slice %arg2[%add3A_42] : memref<106496xi32, #tpu.memory_space<hbm>> -> memref<128xi32, #tpu.memory_space<hbm>>
      tpu.enqueue_dma source(%dma_start3A_85 : memref<128xi32, #tpu.memory_space<hbm>>) target(%dma_start3A_84 : memref<128xi32, #tpu.memory_space<vmem>>) target_semaphore(%run_scoped3A : memref<!tpu.dma_semaphore, #tpu.memory_space<semaphore_mem>>)
      %dma_wait3A = arith.constant 2432 : i32
      %dma_wait3A_86 = tpu.memref_slice %arg12[%dma_wait3A] : memref<3328xi32, #tpu.memory_space<vmem>> -> memref<128xi32, #tpu.memory_space<vmem>>
      %dma_wait3A_87 = tpu.memref_slice %arg2[%add3A_42] : memref<106496xi32, #tpu.memory_space<hbm>> -> memref<128xi32, #tpu.memory_space<hbm>>
      %dma_wait3A_88 = arith.constant 2432 : i32
      %dma_wait3A_89 = tpu.memref_slice %arg12[%dma_wait3A_88] : memref<3328xi32, #tpu.memory_space<vmem>> -> memref<128xi32, #tpu.memory_space<vmem>>
      %dma_wait3A_90 = tpu.memref_slice %arg2[%add3A_42] : memref<106496xi32, #tpu.memory_space<hbm>> -> memref<128xi32, #tpu.memory_space<hbm>>
      tpu.wait_dma2 semaphore(%run_scoped3A : memref<!tpu.dma_semaphore, #tpu.memory_space<semaphore_mem>>) src(%dma_wait3A_90 : memref<128xi32, #tpu.memory_space<hbm>>) dst(%dma_wait3A_89 : memref<128xi32, #tpu.memory_space<vmem>>)
      tpu.yield
    }) : () -> ()
    %add3A_43 = arith.constant 81920 : i32
    %add3A_44 = arith.addi %add3A_43, %mul3A_2 : i32
    "tpu.region"() ({
      %run_scoped3A = tpu.sem_alloc : memref<!tpu.dma_semaphore, #tpu.memory_space<semaphore_mem>>
      %dma_start3A = arith.constant 2560 : i32
      %dma_start3A_81 = tpu.memref_slice %arg12[%dma_start3A] : memref<3328xi32, #tpu.memory_space<vmem>> -> memref<128xi32, #tpu.memory_space<vmem>>
      %dma_start3A_82 = tpu.memref_slice %arg2[%add3A_44] : memref<106496xi32, #tpu.memory_space<hbm>> -> memref<128xi32, #tpu.memory_space<hbm>>
      %dma_start3A_83 = arith.constant 2560 : i32
      %dma_start3A_84 = tpu.memref_slice %arg12[%dma_start3A_83] : memref<3328xi32, #tpu.memory_space<vmem>> -> memref<128xi32, #tpu.memory_space<vmem>>
      %dma_start3A_85 = tpu.memref_slice %arg2[%add3A_44] : memref<106496xi32, #tpu.memory_space<hbm>> -> memref<128xi32, #tpu.memory_space<hbm>>
      tpu.enqueue_dma source(%dma_start3A_85 : memref<128xi32, #tpu.memory_space<hbm>>) target(%dma_start3A_84 : memref<128xi32, #tpu.memory_space<vmem>>) target_semaphore(%run_scoped3A : memref<!tpu.dma_semaphore, #tpu.memory_space<semaphore_mem>>)
      %dma_wait3A = arith.constant 2560 : i32
      %dma_wait3A_86 = tpu.memref_slice %arg12[%dma_wait3A] : memref<3328xi32, #tpu.memory_space<vmem>> -> memref<128xi32, #tpu.memory_space<vmem>>
      %dma_wait3A_87 = tpu.memref_slice %arg2[%add3A_44] : memref<106496xi32, #tpu.memory_space<hbm>> -> memref<128xi32, #tpu.memory_space<hbm>>
      %dma_wait3A_88 = arith.constant 2560 : i32
      %dma_wait3A_89 = tpu.memref_slice %arg12[%dma_wait3A_88] : memref<3328xi32, #tpu.memory_space<vmem>> -> memref<128xi32, #tpu.memory_space<vmem>>
      %dma_wait3A_90 = tpu.memref_slice %arg2[%add3A_44] : memref<106496xi32, #tpu.memory_space<hbm>> -> memref<128xi32, #tpu.memory_space<hbm>>
      tpu.wait_dma2 semaphore(%run_scoped3A : memref<!tpu.dma_semaphore, #tpu.memory_space<semaphore_mem>>) src(%dma_wait3A_90 : memref<128xi32, #tpu.memory_space<hbm>>) dst(%dma_wait3A_89 : memref<128xi32, #tpu.memory_space<vmem>>)
      tpu.yield
    }) : () -> ()
    %add3A_45 = arith.constant 86016 : i32
    %add3A_46 = arith.addi %add3A_45, %mul3A_2 : i32
    "tpu.region"() ({
      %run_scoped3A = tpu.sem_alloc : memref<!tpu.dma_semaphore, #tpu.memory_space<semaphore_mem>>
      %dma_start3A = arith.constant 2688 : i32
      %dma_start3A_81 = tpu.memref_slice %arg12[%dma_start3A] : memref<3328xi32, #tpu.memory_space<vmem>> -> memref<128xi32, #tpu.memory_space<vmem>>
      %dma_start3A_82 = tpu.memref_slice %arg2[%add3A_46] : memref<106496xi32, #tpu.memory_space<hbm>> -> memref<128xi32, #tpu.memory_space<hbm>>
      %dma_start3A_83 = arith.constant 2688 : i32
      %dma_start3A_84 = tpu.memref_slice %arg12[%dma_start3A_83] : memref<3328xi32, #tpu.memory_space<vmem>> -> memref<128xi32, #tpu.memory_space<vmem>>
      %dma_start3A_85 = tpu.memref_slice %arg2[%add3A_46] : memref<106496xi32, #tpu.memory_space<hbm>> -> memref<128xi32, #tpu.memory_space<hbm>>
      tpu.enqueue_dma source(%dma_start3A_85 : memref<128xi32, #tpu.memory_space<hbm>>) target(%dma_start3A_84 : memref<128xi32, #tpu.memory_space<vmem>>) target_semaphore(%run_scoped3A : memref<!tpu.dma_semaphore, #tpu.memory_space<semaphore_mem>>)
      %dma_wait3A = arith.constant 2688 : i32
      %dma_wait3A_86 = tpu.memref_slice %arg12[%dma_wait3A] : memref<3328xi32, #tpu.memory_space<vmem>> -> memref<128xi32, #tpu.memory_space<vmem>>
      %dma_wait3A_87 = tpu.memref_slice %arg2[%add3A_46] : memref<106496xi32, #tpu.memory_space<hbm>> -> memref<128xi32, #tpu.memory_space<hbm>>
      %dma_wait3A_88 = arith.constant 2688 : i32
      %dma_wait3A_89 = tpu.memref_slice %arg12[%dma_wait3A_88] : memref<3328xi32, #tpu.memory_space<vmem>> -> memref<128xi32, #tpu.memory_space<vmem>>
      %dma_wait3A_90 = tpu.memref_slice %arg2[%add3A_46] : memref<106496xi32, #tpu.memory_space<hbm>> -> memref<128xi32, #tpu.memory_space<hbm>>
      tpu.wait_dma2 semaphore(%run_scoped3A : memref<!tpu.dma_semaphore, #tpu.memory_space<semaphore_mem>>) src(%dma_wait3A_90 : memref<128xi32, #tpu.memory_space<hbm>>) dst(%dma_wait3A_89 : memref<128xi32, #tpu.memory_space<vmem>>)
      tpu.yield
    }) : () -> ()
    %add3A_47 = arith.constant 90112 : i32
    %add3A_48 = arith.addi %add3A_47, %mul3A_2 : i32
    "tpu.region"() ({
      %run_scoped3A = tpu.sem_alloc : memref<!tpu.dma_semaphore, #tpu.memory_space<semaphore_mem>>
      %dma_start3A = arith.constant 2816 : i32
      %dma_start3A_81 = tpu.memref_slice %arg12[%dma_start3A] : memref<3328xi32, #tpu.memory_space<vmem>> -> memref<128xi32, #tpu.memory_space<vmem>>
      %dma_start3A_82 = tpu.memref_slice %arg2[%add3A_48] : memref<106496xi32, #tpu.memory_space<hbm>> -> memref<128xi32, #tpu.memory_space<hbm>>
      %dma_start3A_83 = arith.constant 2816 : i32
      %dma_start3A_84 = tpu.memref_slice %arg12[%dma_start3A_83] : memref<3328xi32, #tpu.memory_space<vmem>> -> memref<128xi32, #tpu.memory_space<vmem>>
      %dma_start3A_85 = tpu.memref_slice %arg2[%add3A_48] : memref<106496xi32, #tpu.memory_space<hbm>> -> memref<128xi32, #tpu.memory_space<hbm>>
      tpu.enqueue_dma source(%dma_start3A_85 : memref<128xi32, #tpu.memory_space<hbm>>) target(%dma_start3A_84 : memref<128xi32, #tpu.memory_space<vmem>>) target_semaphore(%run_scoped3A : memref<!tpu.dma_semaphore, #tpu.memory_space<semaphore_mem>>)
      %dma_wait3A = arith.constant 2816 : i32
      %dma_wait3A_86 = tpu.memref_slice %arg12[%dma_wait3A] : memref<3328xi32, #tpu.memory_space<vmem>> -> memref<128xi32, #tpu.memory_space<vmem>>
      %dma_wait3A_87 = tpu.memref_slice %arg2[%add3A_48] : memref<106496xi32, #tpu.memory_space<hbm>> -> memref<128xi32, #tpu.memory_space<hbm>>
      %dma_wait3A_88 = arith.constant 2816 : i32
      %dma_wait3A_89 = tpu.memref_slice %arg12[%dma_wait3A_88] : memref<3328xi32, #tpu.memory_space<vmem>> -> memref<128xi32, #tpu.memory_space<vmem>>
      %dma_wait3A_90 = tpu.memref_slice %arg2[%add3A_48] : memref<106496xi32, #tpu.memory_space<hbm>> -> memref<128xi32, #tpu.memory_space<hbm>>
      tpu.wait_dma2 semaphore(%run_scoped3A : memref<!tpu.dma_semaphore, #tpu.memory_space<semaphore_mem>>) src(%dma_wait3A_90 : memref<128xi32, #tpu.memory_space<hbm>>) dst(%dma_wait3A_89 : memref<128xi32, #tpu.memory_space<vmem>>)
      tpu.yield
    }) : () -> ()
    %add3A_49 = arith.constant 94208 : i32
    %add3A_50 = arith.addi %add3A_49, %mul3A_2 : i32
    "tpu.region"() ({
      %run_scoped3A = tpu.sem_alloc : memref<!tpu.dma_semaphore, #tpu.memory_space<semaphore_mem>>
      %dma_start3A = arith.constant 2944 : i32
      %dma_start3A_81 = tpu.memref_slice %arg12[%dma_start3A] : memref<3328xi32, #tpu.memory_space<vmem>> -> memref<128xi32, #tpu.memory_space<vmem>>
      %dma_start3A_82 = tpu.memref_slice %arg2[%add3A_50] : memref<106496xi32, #tpu.memory_space<hbm>> -> memref<128xi32, #tpu.memory_space<hbm>>
      %dma_start3A_83 = arith.constant 2944 : i32
      %dma_start3A_84 = tpu.memref_slice %arg12[%dma_start3A_83] : memref<3328xi32, #tpu.memory_space<vmem>> -> memref<128xi32, #tpu.memory_space<vmem>>
      %dma_start3A_85 = tpu.memref_slice %arg2[%add3A_50] : memref<106496xi32, #tpu.memory_space<hbm>> -> memref<128xi32, #tpu.memory_space<hbm>>
      tpu.enqueue_dma source(%dma_start3A_85 : memref<128xi32, #tpu.memory_space<hbm>>) target(%dma_start3A_84 : memref<128xi32, #tpu.memory_space<vmem>>) target_semaphore(%run_scoped3A : memref<!tpu.dma_semaphore, #tpu.memory_space<semaphore_mem>>)
      %dma_wait3A = arith.constant 2944 : i32
      %dma_wait3A_86 = tpu.memref_slice %arg12[%dma_wait3A] : memref<3328xi32, #tpu.memory_space<vmem>> -> memref<128xi32, #tpu.memory_space<vmem>>
      %dma_wait3A_87 = tpu.memref_slice %arg2[%add3A_50] : memref<106496xi32, #tpu.memory_space<hbm>> -> memref<128xi32, #tpu.memory_space<hbm>>
      %dma_wait3A_88 = arith.constant 2944 : i32
      %dma_wait3A_89 = tpu.memref_slice %arg12[%dma_wait3A_88] : memref<3328xi32, #tpu.memory_space<vmem>> -> memref<128xi32, #tpu.memory_space<vmem>>
      %dma_wait3A_90 = tpu.memref_slice %arg2[%add3A_50] : memref<106496xi32, #tpu.memory_space<hbm>> -> memref<128xi32, #tpu.memory_space<hbm>>
      tpu.wait_dma2 semaphore(%run_scoped3A : memref<!tpu.dma_semaphore, #tpu.memory_space<semaphore_mem>>) src(%dma_wait3A_90 : memref<128xi32, #tpu.memory_space<hbm>>) dst(%dma_wait3A_89 : memref<128xi32, #tpu.memory_space<vmem>>)
      tpu.yield
    }) : () -> ()
    %add3A_51 = arith.constant 98304 : i32
    %add3A_52 = arith.addi %add3A_51, %mul3A_2 : i32
    "tpu.region"() ({
      %run_scoped3A = tpu.sem_alloc : memref<!tpu.dma_semaphore, #tpu.memory_space<semaphore_mem>>
      %dma_start3A = arith.constant 3072 : i32
      %dma_start3A_81 = tpu.memref_slice %arg12[%dma_start3A] : memref<3328xi32, #tpu.memory_space<vmem>> -> memref<128xi32, #tpu.memory_space<vmem>>
      %dma_start3A_82 = tpu.memref_slice %arg2[%add3A_52] : memref<106496xi32, #tpu.memory_space<hbm>> -> memref<128xi32, #tpu.memory_space<hbm>>
      %dma_start3A_83 = arith.constant 3072 : i32
      %dma_start3A_84 = tpu.memref_slice %arg12[%dma_start3A_83] : memref<3328xi32, #tpu.memory_space<vmem>> -> memref<128xi32, #tpu.memory_space<vmem>>
      %dma_start3A_85 = tpu.memref_slice %arg2[%add3A_52] : memref<106496xi32, #tpu.memory_space<hbm>> -> memref<128xi32, #tpu.memory_space<hbm>>
      tpu.enqueue_dma source(%dma_start3A_85 : memref<128xi32, #tpu.memory_space<hbm>>) target(%dma_start3A_84 : memref<128xi32, #tpu.memory_space<vmem>>) target_semaphore(%run_scoped3A : memref<!tpu.dma_semaphore, #tpu.memory_space<semaphore_mem>>)
      %dma_wait3A = arith.constant 3072 : i32
      %dma_wait3A_86 = tpu.memref_slice %arg12[%dma_wait3A] : memref<3328xi32, #tpu.memory_space<vmem>> -> memref<128xi32, #tpu.memory_space<vmem>>
      %dma_wait3A_87 = tpu.memref_slice %arg2[%add3A_52] : memref<106496xi32, #tpu.memory_space<hbm>> -> memref<128xi32, #tpu.memory_space<hbm>>
      %dma_wait3A_88 = arith.constant 3072 : i32
      %dma_wait3A_89 = tpu.memref_slice %arg12[%dma_wait3A_88] : memref<3328xi32, #tpu.memory_space<vmem>> -> memref<128xi32, #tpu.memory_space<vmem>>
      %dma_wait3A_90 = tpu.memref_slice %arg2[%add3A_52] : memref<106496xi32, #tpu.memory_space<hbm>> -> memref<128xi32, #tpu.memory_space<hbm>>
      tpu.wait_dma2 semaphore(%run_scoped3A : memref<!tpu.dma_semaphore, #tpu.memory_space<semaphore_mem>>) src(%dma_wait3A_90 : memref<128xi32, #tpu.memory_space<hbm>>) dst(%dma_wait3A_89 : memref<128xi32, #tpu.memory_space<vmem>>)
      tpu.yield
    }) : () -> ()
    %add3A_53 = arith.constant 102400 : i32
    %add3A_54 = arith.addi %add3A_53, %mul3A_2 : i32
    "tpu.region"() ({
      %run_scoped3A = tpu.sem_alloc : memref<!tpu.dma_semaphore, #tpu.memory_space<semaphore_mem>>
      %dma_start3A = arith.constant 3200 : i32
      %dma_start3A_81 = tpu.memref_slice %arg12[%dma_start3A] : memref<3328xi32, #tpu.memory_space<vmem>> -> memref<128xi32, #tpu.memory_space<vmem>>
      %dma_start3A_82 = tpu.memref_slice %arg2[%add3A_54] : memref<106496xi32, #tpu.memory_space<hbm>> -> memref<128xi32, #tpu.memory_space<hbm>>
      %dma_start3A_83 = arith.constant 3200 : i32
      %dma_start3A_84 = tpu.memref_slice %arg12[%dma_start3A_83] : memref<3328xi32, #tpu.memory_space<vmem>> -> memref<128xi32, #tpu.memory_space<vmem>>
      %dma_start3A_85 = tpu.memref_slice %arg2[%add3A_54] : memref<106496xi32, #tpu.memory_space<hbm>> -> memref<128xi32, #tpu.memory_space<hbm>>
      tpu.enqueue_dma source(%dma_start3A_85 : memref<128xi32, #tpu.memory_space<hbm>>) target(%dma_start3A_84 : memref<128xi32, #tpu.memory_space<vmem>>) target_semaphore(%run_scoped3A : memref<!tpu.dma_semaphore, #tpu.memory_space<semaphore_mem>>)
      %dma_wait3A = arith.constant 3200 : i32
      %dma_wait3A_86 = tpu.memref_slice %arg12[%dma_wait3A] : memref<3328xi32, #tpu.memory_space<vmem>> -> memref<128xi32, #tpu.memory_space<vmem>>
      %dma_wait3A_87 = tpu.memref_slice %arg2[%add3A_54] : memref<106496xi32, #tpu.memory_space<hbm>> -> memref<128xi32, #tpu.memory_space<hbm>>
      %dma_wait3A_88 = arith.constant 3200 : i32
      %dma_wait3A_89 = tpu.memref_slice %arg12[%dma_wait3A_88] : memref<3328xi32, #tpu.memory_space<vmem>> -> memref<128xi32, #tpu.memory_space<vmem>>
      %dma_wait3A_90 = tpu.memref_slice %arg2[%add3A_54] : memref<106496xi32, #tpu.memory_space<hbm>> -> memref<128xi32, #tpu.memory_space<hbm>>
      tpu.wait_dma2 semaphore(%run_scoped3A : memref<!tpu.dma_semaphore, #tpu.memory_space<semaphore_mem>>) src(%dma_wait3A_90 : memref<128xi32, #tpu.memory_space<hbm>>) dst(%dma_wait3A_89 : memref<128xi32, #tpu.memory_space<vmem>>)
      tpu.yield
    }) : () -> ()
    %scan3A = arith.constant 0 : i32
    %scan3A_55 = arith.constant 0 : i32
    %scan3A_56 = arith.constant 8 : i32
    %scan3A_57 = arith.addi %scan3A_55, %scan3A_56 : i32
    %scan3A_58 = arith.constant 1 : i32
    scf.for %scan3A_81 = %scan3A_55 to %scan3A_57 step %scan3A_58  : i32 {
      %mul3A_82 = arith.constant 16 : i32
      %mul3A_83 = arith.muli %scan3A_81, %mul3A_82 : i32
      %broadcast_in_dim3A = arith.constant 0.000000e+00 : f32
      %broadcast_in_dim3A_84 = vector.broadcast %broadcast_in_dim3A : f32 to vector<16xf32>
      %add3A_85 = arith.constant 0 : i32
      %add3A_86 = arith.addi %add3A_85, %mul3A_83 : i32
      %get3A = arith.index_cast %add3A_86 : i32 to index
      %get3A_87 = tpu.vector_load %arg12[%get3A] {strides = array<i32>} : memref<3328xi32, #tpu.memory_space<vmem>>, vector<16xi32>,
      %add3A_88 = arith.constant 0 : i32
      %add3A_89 = vector.broadcast %add3A_88 : i32 to vector<16xi32>
      %add3A_90 = arith.addi %get3A_87, %add3A_89 : vector<16xi32>
      %gather3A = tpu.vector_load_idx %arg11[%add3A_90] : memref<26112xf32, #tpu.memory_space<vmem>>[vector<16xi32>], vector<16xf32>,
      %add3A_91 = arith.addf %broadcast_in_dim3A_84, %gather3A : vector<16xf32>
      %add3A_92 = arith.constant 128 : i32
      %add3A_93 = arith.addi %add3A_92, %mul3A_83 : i32
      %get3A_94 = arith.index_cast %add3A_93 : i32 to index
      %get3A_95 = tpu.vector_load %arg12[%get3A_94] {strides = array<i32>} : memref<3328xi32, #tpu.memory_space<vmem>>, vector<16xi32>,
      %add3A_96 = arith.constant 1000 : i32
      %add3A_97 = vector.broadcast %add3A_96 : i32 to vector<16xi32>
      %add3A_98 = arith.addi %get3A_95, %add3A_97 : vector<16xi32>
      %gather3A_99 = tpu.vector_load_idx %arg11[%add3A_98] : memref<26112xf32, #tpu.memory_space<vmem>>[vector<16xi32>], vector<16xf32>,
      %add3A_100 = arith.addf %add3A_91, %gather3A_99 : vector<16xf32>
      %add3A_101 = arith.constant 256 : i32
      %add3A_102 = arith.addi %add3A_101, %mul3A_83 : i32
      %get3A_103 = arith.index_cast %add3A_102 : i32 to index
      %get3A_104 = tpu.vector_load %arg12[%get3A_103] {strides = array<i32>} : memref<3328xi32, #tpu.memory_space<vmem>>, vector<16xi32>,
      %add3A_105 = arith.constant 2000 : i32
      %add3A_106 = vector.broadcast %add3A_105 : i32 to vector<16xi32>
      %add3A_107 = arith.addi %get3A_104, %add3A_106 : vector<16xi32>
      %gather3A_108 = tpu.vector_load_idx %arg11[%add3A_107] : memref<26112xf32, #tpu.memory_space<vmem>>[vector<16xi32>], vector<16xf32>,
      %add3A_109 = arith.addf %add3A_100, %gather3A_108 : vector<16xf32>
      %add3A_110 = arith.constant 384 : i32
      %add3A_111 = arith.addi %add3A_110, %mul3A_83 : i32
      %get3A_112 = arith.index_cast %add3A_111 : i32 to index
      %get3A_113 = tpu.vector_load %arg12[%get3A_112] {strides = array<i32>} : memref<3328xi32, #tpu.memory_space<vmem>>, vector<16xi32>,
      %add3A_114 = arith.constant 3000 : i32
      %add3A_115 = vector.broadcast %add3A_114 : i32 to vector<16xi32>
      %add3A_116 = arith.addi %get3A_113, %add3A_115 : vector<16xi32>
      %gather3A_117 = tpu.vector_load_idx %arg11[%add3A_116] : memref<26112xf32, #tpu.memory_space<vmem>>[vector<16xi32>], vector<16xf32>,
      %add3A_118 = arith.addf %add3A_109, %gather3A_117 : vector<16xf32>
      %add3A_119 = arith.constant 512 : i32
      %add3A_120 = arith.addi %add3A_119, %mul3A_83 : i32
      %get3A_121 = arith.index_cast %add3A_120 : i32 to index
      %get3A_122 = tpu.vector_load %arg12[%get3A_121] {strides = array<i32>} : memref<3328xi32, #tpu.memory_space<vmem>>, vector<16xi32>,
      %add3A_123 = arith.constant 4000 : i32
      %add3A_124 = vector.broadcast %add3A_123 : i32 to vector<16xi32>
      %add3A_125 = arith.addi %get3A_122, %add3A_124 : vector<16xi32>
      %gather3A_126 = tpu.vector_load_idx %arg11[%add3A_125] : memref<26112xf32, #tpu.memory_space<vmem>>[vector<16xi32>], vector<16xf32>,
      %add3A_127 = arith.addf %add3A_118, %gather3A_126 : vector<16xf32>
      %add3A_128 = arith.constant 640 : i32
      %add3A_129 = arith.addi %add3A_128, %mul3A_83 : i32
      %get3A_130 = arith.index_cast %add3A_129 : i32 to index
      %get3A_131 = tpu.vector_load %arg12[%get3A_130] {strides = array<i32>} : memref<3328xi32, #tpu.memory_space<vmem>>, vector<16xi32>,
      %add3A_132 = arith.constant 5000 : i32
      %add3A_133 = vector.broadcast %add3A_132 : i32 to vector<16xi32>
      %add3A_134 = arith.addi %get3A_131, %add3A_133 : vector<16xi32>
      %gather3A_135 = tpu.vector_load_idx %arg11[%add3A_134] : memref<26112xf32, #tpu.memory_space<vmem>>[vector<16xi32>], vector<16xf32>,
      %add3A_136 = arith.addf %add3A_127, %gather3A_135 : vector<16xf32>
      %add3A_137 = arith.constant 768 : i32
      %add3A_138 = arith.addi %add3A_137, %mul3A_83 : i32
      %get3A_139 = arith.index_cast %add3A_138 : i32 to index
      %get3A_140 = tpu.vector_load %arg12[%get3A_139] {strides = array<i32>} : memref<3328xi32, #tpu.memory_space<vmem>>, vector<16xi32>,
      %add3A_141 = arith.constant 6000 : i32
      %add3A_142 = vector.broadcast %add3A_141 : i32 to vector<16xi32>
      %add3A_143 = arith.addi %get3A_140, %add3A_142 : vector<16xi32>
      %gather3A_144 = tpu.vector_load_idx %arg11[%add3A_143] : memref<26112xf32, #tpu.memory_space<vmem>>[vector<16xi32>], vector<16xf32>,
      %add3A_145 = arith.addf %add3A_136, %gather3A_144 : vector<16xf32>
      %add3A_146 = arith.constant 896 : i32
      %add3A_147 = arith.addi %add3A_146, %mul3A_83 : i32
      %get3A_148 = arith.index_cast %add3A_147 : i32 to index
      %get3A_149 = tpu.vector_load %arg12[%get3A_148] {strides = array<i32>} : memref<3328xi32, #tpu.memory_space<vmem>>, vector<16xi32>,
      %add3A_150 = arith.constant 7000 : i32
      %add3A_151 = vector.broadcast %add3A_150 : i32 to vector<16xi32>
      %add3A_152 = arith.addi %get3A_149, %add3A_151 : vector<16xi32>
      %gather3A_153 = tpu.vector_load_idx %arg11[%add3A_152] : memref<26112xf32, #tpu.memory_space<vmem>>[vector<16xi32>], vector<16xf32>,
      %add3A_154 = arith.addf %add3A_145, %gather3A_153 : vector<16xf32>
      %add3A_155 = arith.constant 1024 : i32
      %add3A_156 = arith.addi %add3A_155, %mul3A_83 : i32
      %get3A_157 = arith.index_cast %add3A_156 : i32 to index
      %get3A_158 = tpu.vector_load %arg12[%get3A_157] {strides = array<i32>} : memref<3328xi32, #tpu.memory_space<vmem>>, vector<16xi32>,
      %add3A_159 = arith.constant 8000 : i32
      %add3A_160 = vector.broadcast %add3A_159 : i32 to vector<16xi32>
      %add3A_161 = arith.addi %get3A_158, %add3A_160 : vector<16xi32>
      %gather3A_162 = tpu.vector_load_idx %arg11[%add3A_161] : memref<26112xf32, #tpu.memory_space<vmem>>[vector<16xi32>], vector<16xf32>,
      %add3A_163 = arith.addf %add3A_154, %gather3A_162 : vector<16xf32>
      %add3A_164 = arith.constant 1152 : i32
      %add3A_165 = arith.addi %add3A_164, %mul3A_83 : i32
      %get3A_166 = arith.index_cast %add3A_165 : i32 to index
      %get3A_167 = tpu.vector_load %arg12[%get3A_166] {strides = array<i32>} : memref<3328xi32, #tpu.memory_space<vmem>>, vector<16xi32>,
      %add3A_168 = arith.constant 9000 : i32
      %add3A_169 = vector.broadcast %add3A_168 : i32 to vector<16xi32>
      %add3A_170 = arith.addi %get3A_167, %add3A_169 : vector<16xi32>
      %gather3A_171 = tpu.vector_load_idx %arg11[%add3A_170] : memref<26112xf32, #tpu.memory_space<vmem>>[vector<16xi32>], vector<16xf32>,
      %add3A_172 = arith.addf %add3A_163, %gather3A_171 : vector<16xf32>
      %add3A_173 = arith.constant 1280 : i32
      %add3A_174 = arith.addi %add3A_173, %mul3A_83 : i32
      %get3A_175 = arith.index_cast %add3A_174 : i32 to index
      %get3A_176 = tpu.vector_load %arg12[%get3A_175] {strides = array<i32>} : memref<3328xi32, #tpu.memory_space<vmem>>, vector<16xi32>,
      %add3A_177 = arith.constant 10000 : i32
      %add3A_178 = vector.broadcast %add3A_177 : i32 to vector<16xi32>
      %add3A_179 = arith.addi %get3A_176, %add3A_178 : vector<16xi32>
      %gather3A_180 = tpu.vector_load_idx %arg11[%add3A_179] : memref<26112xf32, #tpu.memory_space<vmem>>[vector<16xi32>], vector<16xf32>,
      %add3A_181 = arith.addf %add3A_172, %gather3A_180 : vector<16xf32>
      %add3A_182 = arith.constant 1408 : i32
      %add3A_183 = arith.addi %add3A_182, %mul3A_83 : i32
      %get3A_184 = arith.index_cast %add3A_183 : i32 to index
      %get3A_185 = tpu.vector_load %arg12[%get3A_184] {strides = array<i32>} : memref<3328xi32, #tpu.memory_space<vmem>>, vector<16xi32>,
      %add3A_186 = arith.constant 11000 : i32
      %add3A_187 = vector.broadcast %add3A_186 : i32 to vector<16xi32>
      %add3A_188 = arith.addi %get3A_185, %add3A_187 : vector<16xi32>
      %gather3A_189 = tpu.vector_load_idx %arg11[%add3A_188] : memref<26112xf32, #tpu.memory_space<vmem>>[vector<16xi32>], vector<16xf32>,
      %add3A_190 = arith.addf %add3A_181, %gather3A_189 : vector<16xf32>
      %add3A_191 = arith.constant 1536 : i32
      %add3A_192 = arith.addi %add3A_191, %mul3A_83 : i32
      %get3A_193 = arith.index_cast %add3A_192 : i32 to index
      %get3A_194 = tpu.vector_load %arg12[%get3A_193] {strides = array<i32>} : memref<3328xi32, #tpu.memory_space<vmem>>, vector<16xi32>,
      %add3A_195 = arith.constant 12000 : i32
      %add3A_196 = vector.broadcast %add3A_195 : i32 to vector<16xi32>
      %add3A_197 = arith.addi %get3A_194, %add3A_196 : vector<16xi32>
      %gather3A_198 = tpu.vector_load_idx %arg11[%add3A_197] : memref<26112xf32, #tpu.memory_space<vmem>>[vector<16xi32>], vector<16xf32>,
      %add3A_199 = arith.addf %add3A_190, %gather3A_198 : vector<16xf32>
      %add3A_200 = arith.constant 1664 : i32
      %add3A_201 = arith.addi %add3A_200, %mul3A_83 : i32
      %get3A_202 = arith.index_cast %add3A_201 : i32 to index
      %get3A_203 = tpu.vector_load %arg12[%get3A_202] {strides = array<i32>} : memref<3328xi32, #tpu.memory_space<vmem>>, vector<16xi32>,
      %add3A_204 = arith.constant 13000 : i32
      %add3A_205 = vector.broadcast %add3A_204 : i32 to vector<16xi32>
      %add3A_206 = arith.addi %get3A_203, %add3A_205 : vector<16xi32>
      %gather3A_207 = tpu.vector_load_idx %arg11[%add3A_206] : memref<26112xf32, #tpu.memory_space<vmem>>[vector<16xi32>], vector<16xf32>,
      %add3A_208 = arith.addf %add3A_199, %gather3A_207 : vector<16xf32>
      %add3A_209 = arith.constant 1792 : i32
      %add3A_210 = arith.addi %add3A_209, %mul3A_83 : i32
      %get3A_211 = arith.index_cast %add3A_210 : i32 to index
      %get3A_212 = tpu.vector_load %arg12[%get3A_211] {strides = array<i32>} : memref<3328xi32, #tpu.memory_space<vmem>>, vector<16xi32>,
      %add3A_213 = arith.constant 14000 : i32
      %add3A_214 = vector.broadcast %add3A_213 : i32 to vector<16xi32>
      %add3A_215 = arith.addi %get3A_212, %add3A_214 : vector<16xi32>
      %gather3A_216 = tpu.vector_load_idx %arg11[%add3A_215] : memref<26112xf32, #tpu.memory_space<vmem>>[vector<16xi32>], vector<16xf32>,
      %add3A_217 = arith.addf %add3A_208, %gather3A_216 : vector<16xf32>
      %add3A_218 = arith.constant 1920 : i32
      %add3A_219 = arith.addi %add3A_218, %mul3A_83 : i32
      %get3A_220 = arith.index_cast %add3A_219 : i32 to index
      %get3A_221 = tpu.vector_load %arg12[%get3A_220] {strides = array<i32>} : memref<3328xi32, #tpu.memory_space<vmem>>, vector<16xi32>,
      %add3A_222 = arith.constant 15000 : i32
      %add3A_223 = vector.broadcast %add3A_222 : i32 to vector<16xi32>
      %add3A_224 = arith.addi %get3A_221, %add3A_223 : vector<16xi32>
      %gather3A_225 = tpu.vector_load_idx %arg11[%add3A_224] : memref<26112xf32, #tpu.memory_space<vmem>>[vector<16xi32>], vector<16xf32>,
      %add3A_226 = arith.addf %add3A_217, %gather3A_225 : vector<16xf32>
      %add3A_227 = arith.constant 2048 : i32
      %add3A_228 = arith.addi %add3A_227, %mul3A_83 : i32
      %get3A_229 = arith.index_cast %add3A_228 : i32 to index
      %get3A_230 = tpu.vector_load %arg12[%get3A_229] {strides = array<i32>} : memref<3328xi32, #tpu.memory_space<vmem>>, vector<16xi32>,
      %add3A_231 = arith.constant 16000 : i32
      %add3A_232 = vector.broadcast %add3A_231 : i32 to vector<16xi32>
      %add3A_233 = arith.addi %get3A_230, %add3A_232 : vector<16xi32>
      %gather3A_234 = tpu.vector_load_idx %arg11[%add3A_233] : memref<26112xf32, #tpu.memory_space<vmem>>[vector<16xi32>], vector<16xf32>,
      %add3A_235 = arith.addf %add3A_226, %gather3A_234 : vector<16xf32>
      %add3A_236 = arith.constant 2176 : i32
      %add3A_237 = arith.addi %add3A_236, %mul3A_83 : i32
      %get3A_238 = arith.index_cast %add3A_237 : i32 to index
      %get3A_239 = tpu.vector_load %arg12[%get3A_238] {strides = array<i32>} : memref<3328xi32, #tpu.memory_space<vmem>>, vector<16xi32>,
      %add3A_240 = arith.constant 17000 : i32
      %add3A_241 = vector.broadcast %add3A_240 : i32 to vector<16xi32>
      %add3A_242 = arith.addi %get3A_239, %add3A_241 : vector<16xi32>
      %gather3A_243 = tpu.vector_load_idx %arg11[%add3A_242] : memref<26112xf32, #tpu.memory_space<vmem>>[vector<16xi32>], vector<16xf32>,
      %add3A_244 = arith.addf %add3A_235, %gather3A_243 : vector<16xf32>
      %add3A_245 = arith.constant 2304 : i32
      %add3A_246 = arith.addi %add3A_245, %mul3A_83 : i32
      %get3A_247 = arith.index_cast %add3A_246 : i32 to index
      %get3A_248 = tpu.vector_load %arg12[%get3A_247] {strides = array<i32>} : memref<3328xi32, #tpu.memory_space<vmem>>, vector<16xi32>,
      %add3A_249 = arith.constant 18000 : i32
      %add3A_250 = vector.broadcast %add3A_249 : i32 to vector<16xi32>
      %add3A_251 = arith.addi %get3A_248, %add3A_250 : vector<16xi32>
      %gather3A_252 = tpu.vector_load_idx %arg11[%add3A_251] : memref<26112xf32, #tpu.memory_space<vmem>>[vector<16xi32>], vector<16xf32>,
      %add3A_253 = arith.addf %add3A_244, %gather3A_252 : vector<16xf32>
      %add3A_254 = arith.constant 2432 : i32
      %add3A_255 = arith.addi %add3A_254, %mul3A_83 : i32
      %get3A_256 = arith.index_cast %add3A_255 : i32 to index
      %get3A_257 = tpu.vector_load %arg12[%get3A_256] {strides = array<i32>} : memref<3328xi32, #tpu.memory_space<vmem>>, vector<16xi32>,
      %add3A_258 = arith.constant 19000 : i32
      %add3A_259 = vector.broadcast %add3A_258 : i32 to vector<16xi32>
      %add3A_260 = arith.addi %get3A_257, %add3A_259 : vector<16xi32>
      %gather3A_261 = tpu.vector_load_idx %arg11[%add3A_260] : memref<26112xf32, #tpu.memory_space<vmem>>[vector<16xi32>], vector<16xf32>,
      %add3A_262 = arith.addf %add3A_253, %gather3A_261 : vector<16xf32>
      %add3A_263 = arith.constant 2560 : i32
      %add3A_264 = arith.addi %add3A_263, %mul3A_83 : i32
      %get3A_265 = arith.index_cast %add3A_264 : i32 to index
      %get3A_266 = tpu.vector_load %arg12[%get3A_265] {strides = array<i32>} : memref<3328xi32, #tpu.memory_space<vmem>>, vector<16xi32>,
      %add3A_267 = arith.constant 20000 : i32
      %add3A_268 = vector.broadcast %add3A_267 : i32 to vector<16xi32>
      %add3A_269 = arith.addi %get3A_266, %add3A_268 : vector<16xi32>
      %gather3A_270 = tpu.vector_load_idx %arg11[%add3A_269] : memref<26112xf32, #tpu.memory_space<vmem>>[vector<16xi32>], vector<16xf32>,
      %add3A_271 = arith.addf %add3A_262, %gather3A_270 : vector<16xf32>
      %add3A_272 = arith.constant 2688 : i32
      %add3A_273 = arith.addi %add3A_272, %mul3A_83 : i32
      %get3A_274 = arith.index_cast %add3A_273 : i32 to index
      %get3A_275 = tpu.vector_load %arg12[%get3A_274] {strides = array<i32>} : memref<3328xi32, #tpu.memory_space<vmem>>, vector<16xi32>,
      %add3A_276 = arith.constant 21000 : i32
      %add3A_277 = vector.broadcast %add3A_276 : i32 to vector<16xi32>
      %add3A_278 = arith.addi %get3A_275, %add3A_277 : vector<16xi32>
      %gather3A_279 = tpu.vector_load_idx %arg11[%add3A_278] : memref<26112xf32, #tpu.memory_space<vmem>>[vector<16xi32>], vector<16xf32>,
      %add3A_280 = arith.addf %add3A_271, %gather3A_279 : vector<16xf32>
      %add3A_281 = arith.constant 2816 : i32
      %add3A_282 = arith.addi %add3A_281, %mul3A_83 : i32
      %get3A_283 = arith.index_cast %add3A_282 : i32 to index
      %get3A_284 = tpu.vector_load %arg12[%get3A_283] {strides = array<i32>} : memref<3328xi32, #tpu.memory_space<vmem>>, vector<16xi32>,
      %add3A_285 = arith.constant 22000 : i32
      %add3A_286 = vector.broadcast %add3A_285 : i32 to vector<16xi32>
      %add3A_287 = arith.addi %get3A_284, %add3A_286 : vector<16xi32>
      %gather3A_288 = tpu.vector_load_idx %arg11[%add3A_287] : memref<26112xf32, #tpu.memory_space<vmem>>[vector<16xi32>], vector<16xf32>,
      %add3A_289 = arith.addf %add3A_280, %gather3A_288 : vector<16xf32>
      %add3A_290 = arith.constant 2944 : i32
      %add3A_291 = arith.addi %add3A_290, %mul3A_83 : i32
      %get3A_292 = arith.index_cast %add3A_291 : i32 to index
      %get3A_293 = tpu.vector_load %arg12[%get3A_292] {strides = array<i32>} : memref<3328xi32, #tpu.memory_space<vmem>>, vector<16xi32>,
      %add3A_294 = arith.constant 23000 : i32
      %add3A_295 = vector.broadcast %add3A_294 : i32 to vector<16xi32>
      %add3A_296 = arith.addi %get3A_293, %add3A_295 : vector<16xi32>
      %gather3A_297 = tpu.vector_load_idx %arg11[%add3A_296] : memref<26112xf32, #tpu.memory_space<vmem>>[vector<16xi32>], vector<16xf32>,
      %add3A_298 = arith.addf %add3A_289, %gather3A_297 : vector<16xf32>
      %add3A_299 = arith.constant 3072 : i32
      %add3A_300 = arith.addi %add3A_299, %mul3A_83 : i32
      %get3A_301 = arith.index_cast %add3A_300 : i32 to index
      %get3A_302 = tpu.vector_load %arg12[%get3A_301] {strides = array<i32>} : memref<3328xi32, #tpu.memory_space<vmem>>, vector<16xi32>,
      %add3A_303 = arith.constant 24000 : i32
      %add3A_304 = vector.broadcast %add3A_303 : i32 to vector<16xi32>
      %add3A_305 = arith.addi %get3A_302, %add3A_304 : vector<16xi32>
      %gather3A_306 = tpu.vector_load_idx %arg11[%add3A_305] : memref<26112xf32, #tpu.memory_space<vmem>>[vector<16xi32>], vector<16xf32>,
      %add3A_307 = arith.addf %add3A_298, %gather3A_306 : vector<16xf32>
      %add3A_308 = arith.constant 3200 : i32
      %add3A_309 = arith.addi %add3A_308, %mul3A_83 : i32
      %get3A_310 = arith.index_cast %add3A_309 : i32 to index
      %get3A_311 = tpu.vector_load %arg12[%get3A_310] {strides = array<i32>} : memref<3328xi32, #tpu.memory_space<vmem>>, vector<16xi32>,
      %add3A_312 = arith.constant 25000 : i32
      %add3A_313 = vector.broadcast %add3A_312 : i32 to vector<16xi32>
      %add3A_314 = arith.addi %get3A_311, %add3A_313 : vector<16xi32>
      %gather3A_315 = tpu.vector_load_idx %arg11[%add3A_314] : memref<26112xf32, #tpu.memory_space<vmem>>[vector<16xi32>], vector<16xf32>,
      %add3A_316 = arith.addf %add3A_307, %gather3A_315 : vector<16xf32>
      %swap3A = arith.index_cast %mul3A_83 : i32 to index
      %swap3A_317 = tpu.vector_load %arg13[%swap3A] {strides = array<i32>} : memref<128xf32, #tpu.memory_space<vmem>>, vector<16xf32>,
      tpu.vector_store %arg13[%swap3A], %add3A_316 {strides = array<i32>} : memref<128xf32, #tpu.memory_space<vmem>>, vector<16xf32>,
      %broadcast_in_dim3A_318 = arith.constant 0.000000e+00 : f32
      %broadcast_in_dim3A_319 = vector.broadcast %broadcast_in_dim3A_318 : f32 to vector<16xf32>
      %swap3A_320 = arith.index_cast %mul3A_83 : i32 to index
      %swap3A_321 = tpu.vector_load %arg14[%swap3A_320] {strides = array<i32>} : memref<128xf32, #tpu.memory_space<vmem>>, vector<16xf32>,
      tpu.vector_store %arg14[%swap3A_320], %broadcast_in_dim3A_319 {strides = array<i32>} : memref<128xf32, #tpu.memory_space<vmem>>, vector<16xf32>,
    }
    %scan3A_59 = arith.constant 8 : i32
    %add3A_60 = arith.constant 1331200 : i32
    %add3A_61 = arith.addi %add3A_60, %mul3A_2 : i32
    "tpu.region"() ({
      %run_scoped3A = tpu.sem_alloc : memref<!tpu.dma_semaphore, #tpu.memory_space<semaphore_mem>>
      %dma_start3A = tpu.memref_slice %arg5[%add3A_61] : memref<1343488xf32, #tpu.memory_space<hbm>> -> memref<128xf32, #tpu.memory_space<hbm>>
      %dma_start3A_81 = tpu.memref_slice %arg5[%add3A_61] : memref<1343488xf32, #tpu.memory_space<hbm>> -> memref<128xf32, #tpu.memory_space<hbm>>
      tpu.enqueue_dma source(%arg13 : memref<128xf32, #tpu.memory_space<vmem>>) target(%dma_start3A_81 : memref<128xf32, #tpu.memory_space<hbm>>) target_semaphore(%run_scoped3A : memref<!tpu.dma_semaphore, #tpu.memory_space<semaphore_mem>>)
      %dma_wait3A = tpu.memref_slice %arg5[%add3A_61] : memref<1343488xf32, #tpu.memory_space<hbm>> -> memref<128xf32, #tpu.memory_space<hbm>>
      %dma_wait3A_82 = tpu.memref_slice %arg5[%add3A_61] : memref<1343488xf32, #tpu.memory_space<hbm>> -> memref<128xf32, #tpu.memory_space<hbm>>
      tpu.wait_dma2 semaphore(%run_scoped3A : memref<!tpu.dma_semaphore, #tpu.memory_space<semaphore_mem>>) src(%arg13 : memref<128xf32, #tpu.memory_space<vmem>>) dst(%dma_wait3A_82 : memref<128xf32, #tpu.memory_space<hbm>>)
      tpu.yield
    }) : () -> ()
    %add3A_62 = arith.constant 1335296 : i32
    %add3A_63 = arith.addi %add3A_62, %mul3A_2 : i32
    "tpu.region"() ({
      %run_scoped3A = tpu.sem_alloc : memref<!tpu.dma_semaphore, #tpu.memory_space<semaphore_mem>>
      %dma_start3A = tpu.memref_slice %arg5[%add3A_63] : memref<1343488xf32, #tpu.memory_space<hbm>> -> memref<128xf32, #tpu.memory_space<hbm>>
      %dma_start3A_81 = tpu.memref_slice %arg5[%add3A_63] : memref<1343488xf32, #tpu.memory_space<hbm>> -> memref<128xf32, #tpu.memory_space<hbm>>
      tpu.enqueue_dma source(%arg14 : memref<128xf32, #tpu.memory_space<vmem>>) target(%dma_start3A_81 : memref<128xf32, #tpu.memory_space<hbm>>) target_semaphore(%run_scoped3A : memref<!tpu.dma_semaphore, #tpu.memory_space<semaphore_mem>>)
      %dma_wait3A = tpu.memref_slice %arg5[%add3A_63] : memref<1343488xf32, #tpu.memory_space<hbm>> -> memref<128xf32, #tpu.memory_space<hbm>>
      %dma_wait3A_82 = tpu.memref_slice %arg5[%add3A_63] : memref<1343488xf32, #tpu.memory_space<hbm>> -> memref<128xf32, #tpu.memory_space<hbm>>
      tpu.wait_dma2 semaphore(%run_scoped3A : memref<!tpu.dma_semaphore, #tpu.memory_space<semaphore_mem>>) src(%arg14 : memref<128xf32, #tpu.memory_space<vmem>>) dst(%dma_wait3A_82 : memref<128xf32, #tpu.memory_space<hbm>>)
      tpu.yield
    }) : () -> ()
    %add3A_64 = arith.constant 1339392 : i32
    %add3A_65 = arith.addi %add3A_64, %mul3A_2 : i32
    "tpu.region"() ({
      %run_scoped3A = tpu.sem_alloc : memref<!tpu.dma_semaphore, #tpu.memory_space<semaphore_mem>>
      %dma_start3A = tpu.memref_slice %arg5[%add3A_65] : memref<1343488xf32, #tpu.memory_space<hbm>> -> memref<128xf32, #tpu.memory_space<hbm>>
      %dma_start3A_81 = tpu.memref_slice %arg5[%add3A_65] : memref<1343488xf32, #tpu.memory_space<hbm>> -> memref<128xf32, #tpu.memory_space<hbm>>
      tpu.enqueue_dma source(%arg14 : memref<128xf32, #tpu.memory_space<vmem>>) target(%dma_start3A_81 : memref<128xf32, #tpu.memory_space<hbm>>) target_semaphore(%run_scoped3A : memref<!tpu.dma_semaphore, #tpu.memory_space<semaphore_mem>>)
      %dma_wait3A = tpu.memref_slice %arg5[%add3A_65] : memref<1343488xf32, #tpu.memory_space<hbm>> -> memref<128xf32, #tpu.memory_space<hbm>>
      %dma_wait3A_82 = tpu.memref_slice %arg5[%add3A_65] : memref<1343488xf32, #tpu.memory_space<hbm>> -> memref<128xf32, #tpu.memory_space<hbm>>
      tpu.wait_dma2 semaphore(%run_scoped3A : memref<!tpu.dma_semaphore, #tpu.memory_space<semaphore_mem>>) src(%arg14 : memref<128xf32, #tpu.memory_space<vmem>>) dst(%dma_wait3A_82 : memref<128xf32, #tpu.memory_space<hbm>>)
      tpu.yield
    }) : () -> ()
    %mul3A_66 = arith.constant 10 : i32
    %mul3A_67 = arith.muli %mul3A_66, %add3A : i32
    %min3A = arith.constant 5 : i32
    %min3A_68 = arith.minsi %add3A, %min3A : i32
    %add3A_69 = arith.addi %mul3A_67, %min3A_68 : i32
    %lt3A = arith.constant 5 : i32
    %lt3A_70 = arith.cmpi slt, %add3A, %lt3A : i32
    %jit3A = arith.constant 11 : i32
    %jit3A_71 = arith.constant 10 : i32
    %select_n3A = arith.select %lt3A_70, %jit3A, %jit3A_71 : i32
    %add3A_72 = arith.addi %add3A_69, %select_n3A : i32
    %while3A = arith.constant 0 : i32
    %while3A_73 = arith.subi %add3A_72, %add3A_69 : i32
    %while3A_74 = arith.addi %add3A_69, %while3A_73 : i32
    %while3A_75 = arith.constant 1 : i32
    %while3A_76 = arith.divsi %while3A_73, %while3A_75 : i32
    %while3A_77 = arith.muli %while3A_76, %while3A_75 : i32
    %while3A_78 = arith.addi %add3A_69, %while3A_77 : i32
    %while3A_79 = arith.constant 1 : i32
    scf.for %while3A_81 = %add3A_69 to %while3A_78 step %while3A_79  : i32 {
      %mul3A_82 = arith.constant 5042 : i32
      %mul3A_83 = arith.muli %while3A_81, %mul3A_82 : i32
      %shift_right_logical3A = arith.constant 16 : i32
      %shift_right_logical3A_84 = arith.shrui %mul3A_83, %shift_right_logical3A : i32
      %mul3A_85 = arith.constant 13 : i32
      %mul3A_86 = arith.muli %mul3A_85, %shift_right_logical3A_84 : i32
      %sub3A = arith.subi %while3A_81, %mul3A_86 : i32
      %add3A_87 = arith.addi %shift_right_logical3A_84, %sub3A : i32
      %add3A_88 = arith.constant 25 : i32
      %add3A_89 = arith.addi %shift_right_logical3A_84, %add3A_88 : i32
      %sub3A_90 = arith.subi %add3A_89, %sub3A : i32
      %eq3A = arith.constant 0 : i32
      %eq3A_91 = arith.cmpi eq, %sub3A, %eq3A : i32
      %ge3A = arith.constant 25 : i32
      %ge3A_92 = arith.cmpi sge, %add3A_87, %ge3A : i32
      %sub3A_93 = arith.constant 25 : i32
      %sub3A_94 = arith.subi %add3A_87, %sub3A_93 : i32
      %select_n3A_95 = arith.select %ge3A_92, %sub3A_94, %add3A_87 : i32
      %select_n3A_96 = arith.select %eq3A_91, %shift_right_logical3A_84, %select_n3A_95 : i32
      %eq3A_97 = arith.constant 0 : i32
      %eq3A_98 = arith.cmpi eq, %sub3A, %eq3A_97 : i32
      %ge3A_99 = arith.constant 25 : i32
      %ge3A_100 = arith.cmpi sge, %sub3A_90, %ge3A_99 : i32
      %sub3A_101 = arith.constant 25 : i32
      %sub3A_102 = arith.subi %sub3A_90, %sub3A_101 : i32
      %select_n3A_103 = arith.select %ge3A_100, %sub3A_102, %sub3A_90 : i32
      %jit3A_104 = arith.constant 25 : i32
      %select_n3A_105 = arith.select %eq3A_98, %jit3A_104, %select_n3A_103 : i32
      %mul3A_106 = arith.constant 4096 : i32
      %mul3A_107 = arith.muli %select_n3A_96, %mul3A_106 : i32
      "tpu.region"() ({
        %run_scoped3A = tpu.sem_alloc : memref<!tpu.dma_semaphore, #tpu.memory_space<semaphore_mem>>
        %dma_start3A = tpu.memref_slice %arg2[%mul3A_107] : memref<106496xi32, #tpu.memory_space<hbm>> -> memref<4096xi32, #tpu.memory_space<hbm>>
        %dma_start3A_132 = tpu.memref_slice %arg2[%mul3A_107] : memref<106496xi32, #tpu.memory_space<hbm>> -> memref<4096xi32, #tpu.memory_space<hbm>>
        tpu.enqueue_dma source(%dma_start3A_132 : memref<4096xi32, #tpu.memory_space<hbm>>) target(%arg8 : memref<4096xi32, #tpu.memory_space<vmem>>) target_semaphore(%run_scoped3A : memref<!tpu.dma_semaphore, #tpu.memory_space<semaphore_mem>>)
        %dma_wait3A = tpu.memref_slice %arg2[%mul3A_107] : memref<106496xi32, #tpu.memory_space<hbm>> -> memref<4096xi32, #tpu.memory_space<hbm>>
        %dma_wait3A_133 = tpu.memref_slice %arg2[%mul3A_107] : memref<106496xi32, #tpu.memory_space<hbm>> -> memref<4096xi32, #tpu.memory_space<hbm>>
        tpu.wait_dma2 semaphore(%run_scoped3A : memref<!tpu.dma_semaphore, #tpu.memory_space<semaphore_mem>>) src(%dma_wait3A_133 : memref<4096xi32, #tpu.memory_space<hbm>>) dst(%arg8 : memref<4096xi32, #tpu.memory_space<vmem>>)
        tpu.yield
      }) : () -> ()
      %mul3A_108 = arith.constant 4096 : i32
      %mul3A_109 = arith.muli %select_n3A_105, %mul3A_108 : i32
      "tpu.region"() ({
        %run_scoped3A = tpu.sem_alloc : memref<!tpu.dma_semaphore, #tpu.memory_space<semaphore_mem>>
        %dma_start3A = tpu.memref_slice %arg2[%mul3A_109] : memref<106496xi32, #tpu.memory_space<hbm>> -> memref<4096xi32, #tpu.memory_space<hbm>>
        %dma_start3A_132 = tpu.memref_slice %arg2[%mul3A_109] : memref<106496xi32, #tpu.memory_space<hbm>> -> memref<4096xi32, #tpu.memory_space<hbm>>
        tpu.enqueue_dma source(%dma_start3A_132 : memref<4096xi32, #tpu.memory_space<hbm>>) target(%arg9 : memref<4096xi32, #tpu.memory_space<vmem>>) target_semaphore(%run_scoped3A : memref<!tpu.dma_semaphore, #tpu.memory_space<semaphore_mem>>)
        %dma_wait3A = tpu.memref_slice %arg2[%mul3A_109] : memref<106496xi32, #tpu.memory_space<hbm>> -> memref<4096xi32, #tpu.memory_space<hbm>>
        %dma_wait3A_133 = tpu.memref_slice %arg2[%mul3A_109] : memref<106496xi32, #tpu.memory_space<hbm>> -> memref<4096xi32, #tpu.memory_space<hbm>>
        tpu.wait_dma2 semaphore(%run_scoped3A : memref<!tpu.dma_semaphore, #tpu.memory_space<semaphore_mem>>) src(%dma_wait3A_133 : memref<4096xi32, #tpu.memory_space<hbm>>) dst(%arg9 : memref<4096xi32, #tpu.memory_space<vmem>>)
        tpu.yield
      }) : () -> ()
      %mul3A_110 = arith.constant 26000 : i32
      %mul3A_111 = arith.muli %select_n3A_105, %mul3A_110 : i32
      %mul3A_112 = arith.constant 1000 : i32
      %mul3A_113 = arith.muli %select_n3A_96, %mul3A_112 : i32
      %add3A_114 = arith.addi %mul3A_111, %mul3A_113 : i32
      %mul3A_115 = arith.constant 16 : i32
      %mul3A_116 = arith.muli %add3A_114, %mul3A_115 : i32
      "tpu.region"() ({
        %run_scoped3A = tpu.sem_alloc : memref<!tpu.dma_semaphore, #tpu.memory_space<semaphore_mem>>
        %dma_start3A = tpu.memref_slice %arg3[%mul3A_116] : memref<10816000xf32, #tpu.memory_space<hbm>> -> memref<16000xf32, #tpu.memory_space<hbm>>
        %dma_start3A_132 = tpu.memref_slice %arg3[%mul3A_116] : memref<10816000xf32, #tpu.memory_space<hbm>> -> memref<16000xf32, #tpu.memory_space<hbm>>
        tpu.enqueue_dma source(%dma_start3A_132 : memref<16000xf32, #tpu.memory_space<hbm>>) target(%arg6 : memref<16000xf32, #tpu.memory_space<vmem>>) target_semaphore(%run_scoped3A : memref<!tpu.dma_semaphore, #tpu.memory_space<semaphore_mem>>)
        %dma_wait3A = tpu.memref_slice %arg3[%mul3A_116] : memref<10816000xf32, #tpu.memory_space<hbm>> -> memref<16000xf32, #tpu.memory_space<hbm>>
        %dma_wait3A_133 = tpu.memref_slice %arg3[%mul3A_116] : memref<10816000xf32, #tpu.memory_space<hbm>> -> memref<16000xf32, #tpu.memory_space<hbm>>
        tpu.wait_dma2 semaphore(%run_scoped3A : memref<!tpu.dma_semaphore, #tpu.memory_space<semaphore_mem>>) src(%dma_wait3A_133 : memref<16000xf32, #tpu.memory_space<hbm>>) dst(%arg6 : memref<16000xf32, #tpu.memory_space<vmem>>)
        tpu.yield
      }) : () -> ()
      %mul3A_117 = arith.constant 26000 : i32
      %mul3A_118 = arith.muli %select_n3A_96, %mul3A_117 : i32
      %mul3A_119 = arith.constant 1000 : i32
      %mul3A_120 = arith.muli %select_n3A_105, %mul3A_119 : i32
      %add3A_121 = arith.addi %mul3A_118, %mul3A_120 : i32
      %mul3A_122 = arith.constant 16 : i32
      %mul3A_123 = arith.muli %add3A_121, %mul3A_122 : i32
      "tpu.region"() ({
        %run_scoped3A = tpu.sem_alloc : memref<!tpu.dma_semaphore, #tpu.memory_space<semaphore_mem>>
        %dma_start3A = tpu.memref_slice %arg3[%mul3A_123] : memref<10816000xf32, #tpu.memory_space<hbm>> -> memref<16000xf32, #tpu.memory_space<hbm>>
        %dma_start3A_132 = tpu.memref_slice %arg3[%mul3A_123] : memref<10816000xf32, #tpu.memory_space<hbm>> -> memref<16000xf32, #tpu.memory_space<hbm>>
        tpu.enqueue_dma source(%dma_start3A_132 : memref<16000xf32, #tpu.memory_space<hbm>>) target(%arg7 : memref<16000xf32, #tpu.memory_space<vmem>>) target_semaphore(%run_scoped3A : memref<!tpu.dma_semaphore, #tpu.memory_space<semaphore_mem>>)
        %dma_wait3A = tpu.memref_slice %arg3[%mul3A_123] : memref<10816000xf32, #tpu.memory_space<hbm>> -> memref<16000xf32, #tpu.memory_space<hbm>>
        %dma_wait3A_133 = tpu.memref_slice %arg3[%mul3A_123] : memref<10816000xf32, #tpu.memory_space<hbm>> -> memref<16000xf32, #tpu.memory_space<hbm>>
        tpu.wait_dma2 semaphore(%run_scoped3A : memref<!tpu.dma_semaphore, #tpu.memory_space<semaphore_mem>>) src(%dma_wait3A_133 : memref<16000xf32, #tpu.memory_space<hbm>>) dst(%arg7 : memref<16000xf32, #tpu.memory_space<vmem>>)
        tpu.yield
      }) : () -> ()
      %scan3A_124 = arith.constant 0 : i32
      %scan3A_125 = arith.constant 0 : i32
      %scan3A_126 = arith.constant 256 : i32
      %scan3A_127 = arith.addi %scan3A_125, %scan3A_126 : i32
      %scan3A_128 = arith.constant 1 : i32
      scf.for %scan3A_132 = %scan3A_125 to %scan3A_127 step %scan3A_128  : i32 {
        %mul3A_133 = arith.constant 16 : i32
        %mul3A_134 = arith.muli %scan3A_132, %mul3A_133 : i32
        %get3A = arith.index_cast %mul3A_134 : i32 to index
        %get3A_135 = tpu.vector_load %arg8[%get3A] {strides = array<i32>} : memref<4096xi32, #tpu.memory_space<vmem>>, vector<16xi32>,
        %mul3A_136 = arith.constant 16 : i32
        %mul3A_137 = vector.broadcast %mul3A_136 : i32 to vector<16xi32>
        %mul3A_138 = arith.muli %get3A_135, %mul3A_137 : vector<16xi32>
        %get3A_139 = arith.index_cast %mul3A_134 : i32 to index
        %get3A_140 = tpu.vector_load %arg9[%get3A_139] {strides = array<i32>} : memref<4096xi32, #tpu.memory_space<vmem>>, vector<16xi32>,
        %mul3A_141 = arith.constant 16 : i32
        %mul3A_142 = vector.broadcast %mul3A_141 : i32 to vector<16xi32>
        %mul3A_143 = arith.muli %get3A_140, %mul3A_142 : vector<16xi32>
        %broadcast_in_dim3A = arith.constant 0.000000e+00 : f32
        %broadcast_in_dim3A_144 = vector.broadcast %broadcast_in_dim3A : f32 to vector<16xf32>
        %add3A_145 = arith.constant 0 : i32
        %add3A_146 = vector.broadcast %add3A_145 : i32 to vector<16xi32>
        %add3A_147 = arith.addi %mul3A_138, %add3A_146 : vector<16xi32>
        %gather3A = tpu.vector_load_idx %arg6[%add3A_147] : memref<16000xf32, #tpu.memory_space<vmem>>[vector<16xi32>], vector<16xf32>,
        %add3A_148 = arith.constant 0 : i32
        %add3A_149 = vector.broadcast %add3A_148 : i32 to vector<16xi32>
        %add3A_150 = arith.addi %mul3A_143, %add3A_149 : vector<16xi32>
        %gather3A_151 = tpu.vector_load_idx %arg7[%add3A_150] : memref<16000xf32, #tpu.memory_space<vmem>>[vector<16xi32>], vector<16xf32>,
        %mul3A_152 = arith.mulf %gather3A, %gather3A_151 : vector<16xf32>
        %add3A_153 = arith.addf %broadcast_in_dim3A_144, %mul3A_152 : vector<16xf32>
        %add3A_154 = arith.constant 1 : i32
        %add3A_155 = vector.broadcast %add3A_154 : i32 to vector<16xi32>
        %add3A_156 = arith.addi %mul3A_138, %add3A_155 : vector<16xi32>
        %gather3A_157 = tpu.vector_load_idx %arg6[%add3A_156] : memref<16000xf32, #tpu.memory_space<vmem>>[vector<16xi32>], vector<16xf32>,
        %add3A_158 = arith.constant 1 : i32
        %add3A_159 = vector.broadcast %add3A_158 : i32 to vector<16xi32>
        %add3A_160 = arith.addi %mul3A_143, %add3A_159 : vector<16xi32>
        %gather3A_161 = tpu.vector_load_idx %arg7[%add3A_160] : memref<16000xf32, #tpu.memory_space<vmem>>[vector<16xi32>], vector<16xf32>,
        %mul3A_162 = arith.mulf %gather3A_157, %gather3A_161 : vector<16xf32>
        %add3A_163 = arith.addf %add3A_153, %mul3A_162 : vector<16xf32>
        %add3A_164 = arith.constant 2 : i32
        %add3A_165 = vector.broadcast %add3A_164 : i32 to vector<16xi32>
        %add3A_166 = arith.addi %mul3A_138, %add3A_165 : vector<16xi32>
        %gather3A_167 = tpu.vector_load_idx %arg6[%add3A_166] : memref<16000xf32, #tpu.memory_space<vmem>>[vector<16xi32>], vector<16xf32>,
        %add3A_168 = arith.constant 2 : i32
        %add3A_169 = vector.broadcast %add3A_168 : i32 to vector<16xi32>
        %add3A_170 = arith.addi %mul3A_143, %add3A_169 : vector<16xi32>
        %gather3A_171 = tpu.vector_load_idx %arg7[%add3A_170] : memref<16000xf32, #tpu.memory_space<vmem>>[vector<16xi32>], vector<16xf32>,
        %mul3A_172 = arith.mulf %gather3A_167, %gather3A_171 : vector<16xf32>
        %add3A_173 = arith.addf %add3A_163, %mul3A_172 : vector<16xf32>
        %add3A_174 = arith.constant 3 : i32
        %add3A_175 = vector.broadcast %add3A_174 : i32 to vector<16xi32>
        %add3A_176 = arith.addi %mul3A_138, %add3A_175 : vector<16xi32>
        %gather3A_177 = tpu.vector_load_idx %arg6[%add3A_176] : memref<16000xf32, #tpu.memory_space<vmem>>[vector<16xi32>], vector<16xf32>,
        %add3A_178 = arith.constant 3 : i32
        %add3A_179 = vector.broadcast %add3A_178 : i32 to vector<16xi32>
        %add3A_180 = arith.addi %mul3A_143, %add3A_179 : vector<16xi32>
        %gather3A_181 = tpu.vector_load_idx %arg7[%add3A_180] : memref<16000xf32, #tpu.memory_space<vmem>>[vector<16xi32>], vector<16xf32>,
        %mul3A_182 = arith.mulf %gather3A_177, %gather3A_181 : vector<16xf32>
        %add3A_183 = arith.addf %add3A_173, %mul3A_182 : vector<16xf32>
        %add3A_184 = arith.constant 4 : i32
        %add3A_185 = vector.broadcast %add3A_184 : i32 to vector<16xi32>
        %add3A_186 = arith.addi %mul3A_138, %add3A_185 : vector<16xi32>
        %gather3A_187 = tpu.vector_load_idx %arg6[%add3A_186] : memref<16000xf32, #tpu.memory_space<vmem>>[vector<16xi32>], vector<16xf32>,
        %add3A_188 = arith.constant 4 : i32
        %add3A_189 = vector.broadcast %add3A_188 : i32 to vector<16xi32>
        %add3A_190 = arith.addi %mul3A_143, %add3A_189 : vector<16xi32>
        %gather3A_191 = tpu.vector_load_idx %arg7[%add3A_190] : memref<16000xf32, #tpu.memory_space<vmem>>[vector<16xi32>], vector<16xf32>,
        %mul3A_192 = arith.mulf %gather3A_187, %gather3A_191 : vector<16xf32>
        %add3A_193 = arith.addf %add3A_183, %mul3A_192 : vector<16xf32>
        %add3A_194 = arith.constant 5 : i32
        %add3A_195 = vector.broadcast %add3A_194 : i32 to vector<16xi32>
        %add3A_196 = arith.addi %mul3A_138, %add3A_195 : vector<16xi32>
        %gather3A_197 = tpu.vector_load_idx %arg6[%add3A_196] : memref<16000xf32, #tpu.memory_space<vmem>>[vector<16xi32>], vector<16xf32>,
        %add3A_198 = arith.constant 5 : i32
        %add3A_199 = vector.broadcast %add3A_198 : i32 to vector<16xi32>
        %add3A_200 = arith.addi %mul3A_143, %add3A_199 : vector<16xi32>
        %gather3A_201 = tpu.vector_load_idx %arg7[%add3A_200] : memref<16000xf32, #tpu.memory_space<vmem>>[vector<16xi32>], vector<16xf32>,
        %mul3A_202 = arith.mulf %gather3A_197, %gather3A_201 : vector<16xf32>
        %add3A_203 = arith.addf %add3A_193, %mul3A_202 : vector<16xf32>
        %add3A_204 = arith.constant 6 : i32
        %add3A_205 = vector.broadcast %add3A_204 : i32 to vector<16xi32>
        %add3A_206 = arith.addi %mul3A_138, %add3A_205 : vector<16xi32>
        %gather3A_207 = tpu.vector_load_idx %arg6[%add3A_206] : memref<16000xf32, #tpu.memory_space<vmem>>[vector<16xi32>], vector<16xf32>,
        %add3A_208 = arith.constant 6 : i32
        %add3A_209 = vector.broadcast %add3A_208 : i32 to vector<16xi32>
        %add3A_210 = arith.addi %mul3A_143, %add3A_209 : vector<16xi32>
        %gather3A_211 = tpu.vector_load_idx %arg7[%add3A_210] : memref<16000xf32, #tpu.memory_space<vmem>>[vector<16xi32>], vector<16xf32>,
        %mul3A_212 = arith.mulf %gather3A_207, %gather3A_211 : vector<16xf32>
        %add3A_213 = arith.addf %add3A_203, %mul3A_212 : vector<16xf32>
        %add3A_214 = arith.constant 7 : i32
        %add3A_215 = vector.broadcast %add3A_214 : i32 to vector<16xi32>
        %add3A_216 = arith.addi %mul3A_138, %add3A_215 : vector<16xi32>
        %gather3A_217 = tpu.vector_load_idx %arg6[%add3A_216] : memref<16000xf32, #tpu.memory_space<vmem>>[vector<16xi32>], vector<16xf32>,
        %add3A_218 = arith.constant 7 : i32
        %add3A_219 = vector.broadcast %add3A_218 : i32 to vector<16xi32>
        %add3A_220 = arith.addi %mul3A_143, %add3A_219 : vector<16xi32>
        %gather3A_221 = tpu.vector_load_idx %arg7[%add3A_220] : memref<16000xf32, #tpu.memory_space<vmem>>[vector<16xi32>], vector<16xf32>,
        %mul3A_222 = arith.mulf %gather3A_217, %gather3A_221 : vector<16xf32>
        %add3A_223 = arith.addf %add3A_213, %mul3A_222 : vector<16xf32>
        %add3A_224 = arith.constant 8 : i32
        %add3A_225 = vector.broadcast %add3A_224 : i32 to vector<16xi32>
        %add3A_226 = arith.addi %mul3A_138, %add3A_225 : vector<16xi32>
        %gather3A_227 = tpu.vector_load_idx %arg6[%add3A_226] : memref<16000xf32, #tpu.memory_space<vmem>>[vector<16xi32>], vector<16xf32>,
        %add3A_228 = arith.constant 8 : i32
        %add3A_229 = vector.broadcast %add3A_228 : i32 to vector<16xi32>
        %add3A_230 = arith.addi %mul3A_143, %add3A_229 : vector<16xi32>
        %gather3A_231 = tpu.vector_load_idx %arg7[%add3A_230] : memref<16000xf32, #tpu.memory_space<vmem>>[vector<16xi32>], vector<16xf32>,
        %mul3A_232 = arith.mulf %gather3A_227, %gather3A_231 : vector<16xf32>
        %add3A_233 = arith.addf %add3A_223, %mul3A_232 : vector<16xf32>
        %add3A_234 = arith.constant 9 : i32
        %add3A_235 = vector.broadcast %add3A_234 : i32 to vector<16xi32>
        %add3A_236 = arith.addi %mul3A_138, %add3A_235 : vector<16xi32>
        %gather3A_237 = tpu.vector_load_idx %arg6[%add3A_236] : memref<16000xf32, #tpu.memory_space<vmem>>[vector<16xi32>], vector<16xf32>,
        %add3A_238 = arith.constant 9 : i32
        %add3A_239 = vector.broadcast %add3A_238 : i32 to vector<16xi32>
        %add3A_240 = arith.addi %mul3A_143, %add3A_239 : vector<16xi32>
        %gather3A_241 = tpu.vector_load_idx %arg7[%add3A_240] : memref<16000xf32, #tpu.memory_space<vmem>>[vector<16xi32>], vector<16xf32>,
        %mul3A_242 = arith.mulf %gather3A_237, %gather3A_241 : vector<16xf32>
        %add3A_243 = arith.addf %add3A_233, %mul3A_242 : vector<16xf32>
        %add3A_244 = arith.constant 10 : i32
        %add3A_245 = vector.broadcast %add3A_244 : i32 to vector<16xi32>
        %add3A_246 = arith.addi %mul3A_138, %add3A_245 : vector<16xi32>
        %gather3A_247 = tpu.vector_load_idx %arg6[%add3A_246] : memref<16000xf32, #tpu.memory_space<vmem>>[vector<16xi32>], vector<16xf32>,
        %add3A_248 = arith.constant 10 : i32
        %add3A_249 = vector.broadcast %add3A_248 : i32 to vector<16xi32>
        %add3A_250 = arith.addi %mul3A_143, %add3A_249 : vector<16xi32>
        %gather3A_251 = tpu.vector_load_idx %arg7[%add3A_250] : memref<16000xf32, #tpu.memory_space<vmem>>[vector<16xi32>], vector<16xf32>,
        %mul3A_252 = arith.mulf %gather3A_247, %gather3A_251 : vector<16xf32>
        %add3A_253 = arith.addf %add3A_243, %mul3A_252 : vector<16xf32>
        %add3A_254 = arith.constant 11 : i32
        %add3A_255 = vector.broadcast %add3A_254 : i32 to vector<16xi32>
        %add3A_256 = arith.addi %mul3A_138, %add3A_255 : vector<16xi32>
        %gather3A_257 = tpu.vector_load_idx %arg6[%add3A_256] : memref<16000xf32, #tpu.memory_space<vmem>>[vector<16xi32>], vector<16xf32>,
        %add3A_258 = arith.constant 11 : i32
        %add3A_259 = vector.broadcast %add3A_258 : i32 to vector<16xi32>
        %add3A_260 = arith.addi %mul3A_143, %add3A_259 : vector<16xi32>
        %gather3A_261 = tpu.vector_load_idx %arg7[%add3A_260] : memref<16000xf32, #tpu.memory_space<vmem>>[vector<16xi32>], vector<16xf32>,
        %mul3A_262 = arith.mulf %gather3A_257, %gather3A_261 : vector<16xf32>
        %add3A_263 = arith.addf %add3A_253, %mul3A_262 : vector<16xf32>
        %add3A_264 = arith.constant 12 : i32
        %add3A_265 = vector.broadcast %add3A_264 : i32 to vector<16xi32>
        %add3A_266 = arith.addi %mul3A_138, %add3A_265 : vector<16xi32>
        %gather3A_267 = tpu.vector_load_idx %arg6[%add3A_266] : memref<16000xf32, #tpu.memory_space<vmem>>[vector<16xi32>], vector<16xf32>,
        %add3A_268 = arith.constant 12 : i32
        %add3A_269 = vector.broadcast %add3A_268 : i32 to vector<16xi32>
        %add3A_270 = arith.addi %mul3A_143, %add3A_269 : vector<16xi32>
        %gather3A_271 = tpu.vector_load_idx %arg7[%add3A_270] : memref<16000xf32, #tpu.memory_space<vmem>>[vector<16xi32>], vector<16xf32>,
        %mul3A_272 = arith.mulf %gather3A_267, %gather3A_271 : vector<16xf32>
        %add3A_273 = arith.addf %add3A_263, %mul3A_272 : vector<16xf32>
        %add3A_274 = arith.constant 13 : i32
        %add3A_275 = vector.broadcast %add3A_274 : i32 to vector<16xi32>
        %add3A_276 = arith.addi %mul3A_138, %add3A_275 : vector<16xi32>
        %gather3A_277 = tpu.vector_load_idx %arg6[%add3A_276] : memref<16000xf32, #tpu.memory_space<vmem>>[vector<16xi32>], vector<16xf32>,
        %add3A_278 = arith.constant 13 : i32
        %add3A_279 = vector.broadcast %add3A_278 : i32 to vector<16xi32>
        %add3A_280 = arith.addi %mul3A_143, %add3A_279 : vector<16xi32>
        %gather3A_281 = tpu.vector_load_idx %arg7[%add3A_280] : memref<16000xf32, #tpu.memory_space<vmem>>[vector<16xi32>], vector<16xf32>,
        %mul3A_282 = arith.mulf %gather3A_277, %gather3A_281 : vector<16xf32>
        %add3A_283 = arith.addf %add3A_273, %mul3A_282 : vector<16xf32>
        %add3A_284 = arith.constant 14 : i32
        %add3A_285 = vector.broadcast %add3A_284 : i32 to vector<16xi32>
        %add3A_286 = arith.addi %mul3A_138, %add3A_285 : vector<16xi32>
        %gather3A_287 = tpu.vector_load_idx %arg6[%add3A_286] : memref<16000xf32, #tpu.memory_space<vmem>>[vector<16xi32>], vector<16xf32>,
        %add3A_288 = arith.constant 14 : i32
        %add3A_289 = vector.broadcast %add3A_288 : i32 to vector<16xi32>
        %add3A_290 = arith.addi %mul3A_143, %add3A_289 : vector<16xi32>
        %gather3A_291 = tpu.vector_load_idx %arg7[%add3A_290] : memref<16000xf32, #tpu.memory_space<vmem>>[vector<16xi32>], vector<16xf32>,
        %mul3A_292 = arith.mulf %gather3A_287, %gather3A_291 : vector<16xf32>
        %add3A_293 = arith.addf %add3A_283, %mul3A_292 : vector<16xf32>
        %add3A_294 = arith.constant 15 : i32
        %add3A_295 = vector.broadcast %add3A_294 : i32 to vector<16xi32>
        %add3A_296 = arith.addi %mul3A_138, %add3A_295 : vector<16xi32>
        %gather3A_297 = tpu.vector_load_idx %arg6[%add3A_296] : memref<16000xf32, #tpu.memory_space<vmem>>[vector<16xi32>], vector<16xf32>,
        %add3A_298 = arith.constant 15 : i32
        %add3A_299 = vector.broadcast %add3A_298 : i32 to vector<16xi32>
        %add3A_300 = arith.addi %mul3A_143, %add3A_299 : vector<16xi32>
        %gather3A_301 = tpu.vector_load_idx %arg7[%add3A_300] : memref<16000xf32, #tpu.memory_space<vmem>>[vector<16xi32>], vector<16xf32>,
        %mul3A_302 = arith.mulf %gather3A_297, %gather3A_301 : vector<16xf32>
        %add3A_303 = arith.addf %add3A_293, %mul3A_302 : vector<16xf32>
        %swap3A = arith.index_cast %mul3A_134 : i32 to index
        %swap3A_304 = tpu.vector_load %arg10[%swap3A] {strides = array<i32>} : memref<4096xf32, #tpu.memory_space<vmem>>, vector<16xf32>,
        tpu.vector_store %arg10[%swap3A], %add3A_303 {strides = array<i32>} : memref<4096xf32, #tpu.memory_space<vmem>>, vector<16xf32>,
      }
      %scan3A_129 = arith.constant 256 : i32
      %mul3A_130 = arith.constant 4096 : i32
      %mul3A_131 = arith.muli %while3A_81, %mul3A_130 : i32
      "tpu.region"() ({
        %run_scoped3A = tpu.sem_alloc : memref<!tpu.dma_semaphore, #tpu.memory_space<semaphore_mem>>
        %dma_start3A = tpu.memref_slice %arg5[%mul3A_131] : memref<1343488xf32, #tpu.memory_space<hbm>> -> memref<4096xf32, #tpu.memory_space<hbm>>
        %dma_start3A_132 = tpu.memref_slice %arg5[%mul3A_131] : memref<1343488xf32, #tpu.memory_space<hbm>> -> memref<4096xf32, #tpu.memory_space<hbm>>
        tpu.enqueue_dma source(%arg10 : memref<4096xf32, #tpu.memory_space<vmem>>) target(%dma_start3A_132 : memref<4096xf32, #tpu.memory_space<hbm>>) target_semaphore(%run_scoped3A : memref<!tpu.dma_semaphore, #tpu.memory_space<semaphore_mem>>)
        %dma_wait3A = tpu.memref_slice %arg5[%mul3A_131] : memref<1343488xf32, #tpu.memory_space<hbm>> -> memref<4096xf32, #tpu.memory_space<hbm>>
        %dma_wait3A_133 = tpu.memref_slice %arg5[%mul3A_131] : memref<1343488xf32, #tpu.memory_space<hbm>> -> memref<4096xf32, #tpu.memory_space<hbm>>
        tpu.wait_dma2 semaphore(%run_scoped3A : memref<!tpu.dma_semaphore, #tpu.memory_space<semaphore_mem>>) src(%arg10 : memref<4096xf32, #tpu.memory_space<vmem>>) dst(%dma_wait3A_133 : memref<4096xf32, #tpu.memory_space<hbm>>)
        tpu.yield
      }) : () -> ()
    }
    %while3A_80 = arith.constant 1 : i32
    scf.for %while3A_81 = %while3A_78 to %while3A_74 step %while3A_80  : i32 {
      %mul3A_82 = arith.constant 5042 : i32
      %mul3A_83 = arith.muli %while3A_81, %mul3A_82 : i32
      %shift_right_logical3A = arith.constant 16 : i32
      %shift_right_logical3A_84 = arith.shrui %mul3A_83, %shift_right_logical3A : i32
      %mul3A_85 = arith.constant 13 : i32
      %mul3A_86 = arith.muli %mul3A_85, %shift_right_logical3A_84 : i32
      %sub3A = arith.subi %while3A_81, %mul3A_86 : i32
      %add3A_87 = arith.addi %shift_right_logical3A_84, %sub3A : i32
      %add3A_88 = arith.constant 25 : i32
      %add3A_89 = arith.addi %shift_right_logical3A_84, %add3A_88 : i32
      %sub3A_90 = arith.subi %add3A_89, %sub3A : i32
      %eq3A = arith.constant 0 : i32
      %eq3A_91 = arith.cmpi eq, %sub3A, %eq3A : i32
      %ge3A = arith.constant 25 : i32
      %ge3A_92 = arith.cmpi sge, %add3A_87, %ge3A : i32
      %sub3A_93 = arith.constant 25 : i32
      %sub3A_94 = arith.subi %add3A_87, %sub3A_93 : i32
      %select_n3A_95 = arith.select %ge3A_92, %sub3A_94, %add3A_87 : i32
      %select_n3A_96 = arith.select %eq3A_91, %shift_right_logical3A_84, %select_n3A_95 : i32
      %eq3A_97 = arith.constant 0 : i32
      %eq3A_98 = arith.cmpi eq, %sub3A, %eq3A_97 : i32
      %ge3A_99 = arith.constant 25 : i32
      %ge3A_100 = arith.cmpi sge, %sub3A_90, %ge3A_99 : i32
      %sub3A_101 = arith.constant 25 : i32
      %sub3A_102 = arith.subi %sub3A_90, %sub3A_101 : i32
      %select_n3A_103 = arith.select %ge3A_100, %sub3A_102, %sub3A_90 : i32
      %jit3A_104 = arith.constant 25 : i32
      %select_n3A_105 = arith.select %eq3A_98, %jit3A_104, %select_n3A_103 : i32
      %mul3A_106 = arith.constant 4096 : i32
      %mul3A_107 = arith.muli %select_n3A_96, %mul3A_106 : i32
      "tpu.region"() ({
        %run_scoped3A = tpu.sem_alloc : memref<!tpu.dma_semaphore, #tpu.memory_space<semaphore_mem>>
        %dma_start3A = tpu.memref_slice %arg2[%mul3A_107] : memref<106496xi32, #tpu.memory_space<hbm>> -> memref<4096xi32, #tpu.memory_space<hbm>>
        %dma_start3A_132 = tpu.memref_slice %arg2[%mul3A_107] : memref<106496xi32, #tpu.memory_space<hbm>> -> memref<4096xi32, #tpu.memory_space<hbm>>
        tpu.enqueue_dma source(%dma_start3A_132 : memref<4096xi32, #tpu.memory_space<hbm>>) target(%arg8 : memref<4096xi32, #tpu.memory_space<vmem>>) target_semaphore(%run_scoped3A : memref<!tpu.dma_semaphore, #tpu.memory_space<semaphore_mem>>)
        %dma_wait3A = tpu.memref_slice %arg2[%mul3A_107] : memref<106496xi32, #tpu.memory_space<hbm>> -> memref<4096xi32, #tpu.memory_space<hbm>>
        %dma_wait3A_133 = tpu.memref_slice %arg2[%mul3A_107] : memref<106496xi32, #tpu.memory_space<hbm>> -> memref<4096xi32, #tpu.memory_space<hbm>>
        tpu.wait_dma2 semaphore(%run_scoped3A : memref<!tpu.dma_semaphore, #tpu.memory_space<semaphore_mem>>) src(%dma_wait3A_133 : memref<4096xi32, #tpu.memory_space<hbm>>) dst(%arg8 : memref<4096xi32, #tpu.memory_space<vmem>>)
        tpu.yield
      }) : () -> ()
      %mul3A_108 = arith.constant 4096 : i32
      %mul3A_109 = arith.muli %select_n3A_105, %mul3A_108 : i32
      "tpu.region"() ({
        %run_scoped3A = tpu.sem_alloc : memref<!tpu.dma_semaphore, #tpu.memory_space<semaphore_mem>>
        %dma_start3A = tpu.memref_slice %arg2[%mul3A_109] : memref<106496xi32, #tpu.memory_space<hbm>> -> memref<4096xi32, #tpu.memory_space<hbm>>
        %dma_start3A_132 = tpu.memref_slice %arg2[%mul3A_109] : memref<106496xi32, #tpu.memory_space<hbm>> -> memref<4096xi32, #tpu.memory_space<hbm>>
        tpu.enqueue_dma source(%dma_start3A_132 : memref<4096xi32, #tpu.memory_space<hbm>>) target(%arg9 : memref<4096xi32, #tpu.memory_space<vmem>>) target_semaphore(%run_scoped3A : memref<!tpu.dma_semaphore, #tpu.memory_space<semaphore_mem>>)
        %dma_wait3A = tpu.memref_slice %arg2[%mul3A_109] : memref<106496xi32, #tpu.memory_space<hbm>> -> memref<4096xi32, #tpu.memory_space<hbm>>
        %dma_wait3A_133 = tpu.memref_slice %arg2[%mul3A_109] : memref<106496xi32, #tpu.memory_space<hbm>> -> memref<4096xi32, #tpu.memory_space<hbm>>
        tpu.wait_dma2 semaphore(%run_scoped3A : memref<!tpu.dma_semaphore, #tpu.memory_space<semaphore_mem>>) src(%dma_wait3A_133 : memref<4096xi32, #tpu.memory_space<hbm>>) dst(%arg9 : memref<4096xi32, #tpu.memory_space<vmem>>)
        tpu.yield
      }) : () -> ()
      %mul3A_110 = arith.constant 26000 : i32
      %mul3A_111 = arith.muli %select_n3A_105, %mul3A_110 : i32
      %mul3A_112 = arith.constant 1000 : i32
      %mul3A_113 = arith.muli %select_n3A_96, %mul3A_112 : i32
      %add3A_114 = arith.addi %mul3A_111, %mul3A_113 : i32
      %mul3A_115 = arith.constant 16 : i32
      %mul3A_116 = arith.muli %add3A_114, %mul3A_115 : i32
      "tpu.region"() ({
        %run_scoped3A = tpu.sem_alloc : memref<!tpu.dma_semaphore, #tpu.memory_space<semaphore_mem>>
        %dma_start3A = tpu.memref_slice %arg3[%mul3A_116] : memref<10816000xf32, #tpu.memory_space<hbm>> -> memref<16000xf32, #tpu.memory_space<hbm>>
        %dma_start3A_132 = tpu.memref_slice %arg3[%mul3A_116] : memref<10816000xf32, #tpu.memory_space<hbm>> -> memref<16000xf32, #tpu.memory_space<hbm>>
        tpu.enqueue_dma source(%dma_start3A_132 : memref<16000xf32, #tpu.memory_space<hbm>>) target(%arg6 : memref<16000xf32, #tpu.memory_space<vmem>>) target_semaphore(%run_scoped3A : memref<!tpu.dma_semaphore, #tpu.memory_space<semaphore_mem>>)
        %dma_wait3A = tpu.memref_slice %arg3[%mul3A_116] : memref<10816000xf32, #tpu.memory_space<hbm>> -> memref<16000xf32, #tpu.memory_space<hbm>>
        %dma_wait3A_133 = tpu.memref_slice %arg3[%mul3A_116] : memref<10816000xf32, #tpu.memory_space<hbm>> -> memref<16000xf32, #tpu.memory_space<hbm>>
        tpu.wait_dma2 semaphore(%run_scoped3A : memref<!tpu.dma_semaphore, #tpu.memory_space<semaphore_mem>>) src(%dma_wait3A_133 : memref<16000xf32, #tpu.memory_space<hbm>>) dst(%arg6 : memref<16000xf32, #tpu.memory_space<vmem>>)
        tpu.yield
      }) : () -> ()
      %mul3A_117 = arith.constant 26000 : i32
      %mul3A_118 = arith.muli %select_n3A_96, %mul3A_117 : i32
      %mul3A_119 = arith.constant 1000 : i32
      %mul3A_120 = arith.muli %select_n3A_105, %mul3A_119 : i32
      %add3A_121 = arith.addi %mul3A_118, %mul3A_120 : i32
      %mul3A_122 = arith.constant 16 : i32
      %mul3A_123 = arith.muli %add3A_121, %mul3A_122 : i32
      "tpu.region"() ({
        %run_scoped3A = tpu.sem_alloc : memref<!tpu.dma_semaphore, #tpu.memory_space<semaphore_mem>>
        %dma_start3A = tpu.memref_slice %arg3[%mul3A_123] : memref<10816000xf32, #tpu.memory_space<hbm>> -> memref<16000xf32, #tpu.memory_space<hbm>>
        %dma_start3A_132 = tpu.memref_slice %arg3[%mul3A_123] : memref<10816000xf32, #tpu.memory_space<hbm>> -> memref<16000xf32, #tpu.memory_space<hbm>>
        tpu.enqueue_dma source(%dma_start3A_132 : memref<16000xf32, #tpu.memory_space<hbm>>) target(%arg7 : memref<16000xf32, #tpu.memory_space<vmem>>) target_semaphore(%run_scoped3A : memref<!tpu.dma_semaphore, #tpu.memory_space<semaphore_mem>>)
        %dma_wait3A = tpu.memref_slice %arg3[%mul3A_123] : memref<10816000xf32, #tpu.memory_space<hbm>> -> memref<16000xf32, #tpu.memory_space<hbm>>
        %dma_wait3A_133 = tpu.memref_slice %arg3[%mul3A_123] : memref<10816000xf32, #tpu.memory_space<hbm>> -> memref<16000xf32, #tpu.memory_space<hbm>>
        tpu.wait_dma2 semaphore(%run_scoped3A : memref<!tpu.dma_semaphore, #tpu.memory_space<semaphore_mem>>) src(%dma_wait3A_133 : memref<16000xf32, #tpu.memory_space<hbm>>) dst(%arg7 : memref<16000xf32, #tpu.memory_space<vmem>>)
        tpu.yield
      }) : () -> ()
      %scan3A_124 = arith.constant 0 : i32
      %scan3A_125 = arith.constant 0 : i32
      %scan3A_126 = arith.constant 256 : i32
      %scan3A_127 = arith.addi %scan3A_125, %scan3A_126 : i32
      %scan3A_128 = arith.constant 1 : i32
      scf.for %scan3A_132 = %scan3A_125 to %scan3A_127 step %scan3A_128  : i32 {
        %mul3A_133 = arith.constant 16 : i32
        %mul3A_134 = arith.muli %scan3A_132, %mul3A_133 : i32
        %get3A = arith.index_cast %mul3A_134 : i32 to index
        %get3A_135 = tpu.vector_load %arg8[%get3A] {strides = array<i32>} : memref<4096xi32, #tpu.memory_space<vmem>>, vector<16xi32>,
        %mul3A_136 = arith.constant 16 : i32
        %mul3A_137 = vector.broadcast %mul3A_136 : i32 to vector<16xi32>
        %mul3A_138 = arith.muli %get3A_135, %mul3A_137 : vector<16xi32>
        %get3A_139 = arith.index_cast %mul3A_134 : i32 to index
        %get3A_140 = tpu.vector_load %arg9[%get3A_139] {strides = array<i32>} : memref<4096xi32, #tpu.memory_space<vmem>>, vector<16xi32>,
        %mul3A_141 = arith.constant 16 : i32
        %mul3A_142 = vector.broadcast %mul3A_141 : i32 to vector<16xi32>
        %mul3A_143 = arith.muli %get3A_140, %mul3A_142 : vector<16xi32>
        %broadcast_in_dim3A = arith.constant 0.000000e+00 : f32
        %broadcast_in_dim3A_144 = vector.broadcast %broadcast_in_dim3A : f32 to vector<16xf32>
        %add3A_145 = arith.constant 0 : i32
        %add3A_146 = vector.broadcast %add3A_145 : i32 to vector<16xi32>
        %add3A_147 = arith.addi %mul3A_138, %add3A_146 : vector<16xi32>
        %gather3A = tpu.vector_load_idx %arg6[%add3A_147] : memref<16000xf32, #tpu.memory_space<vmem>>[vector<16xi32>], vector<16xf32>,
        %add3A_148 = arith.constant 0 : i32
        %add3A_149 = vector.broadcast %add3A_148 : i32 to vector<16xi32>
        %add3A_150 = arith.addi %mul3A_143, %add3A_149 : vector<16xi32>
        %gather3A_151 = tpu.vector_load_idx %arg7[%add3A_150] : memref<16000xf32, #tpu.memory_space<vmem>>[vector<16xi32>], vector<16xf32>,
        %mul3A_152 = arith.mulf %gather3A, %gather3A_151 : vector<16xf32>
        %add3A_153 = arith.addf %broadcast_in_dim3A_144, %mul3A_152 : vector<16xf32>
        %add3A_154 = arith.constant 1 : i32
        %add3A_155 = vector.broadcast %add3A_154 : i32 to vector<16xi32>
        %add3A_156 = arith.addi %mul3A_138, %add3A_155 : vector<16xi32>
        %gather3A_157 = tpu.vector_load_idx %arg6[%add3A_156] : memref<16000xf32, #tpu.memory_space<vmem>>[vector<16xi32>], vector<16xf32>,
        %add3A_158 = arith.constant 1 : i32
        %add3A_159 = vector.broadcast %add3A_158 : i32 to vector<16xi32>
        %add3A_160 = arith.addi %mul3A_143, %add3A_159 : vector<16xi32>
        %gather3A_161 = tpu.vector_load_idx %arg7[%add3A_160] : memref<16000xf32, #tpu.memory_space<vmem>>[vector<16xi32>], vector<16xf32>,
        %mul3A_162 = arith.mulf %gather3A_157, %gather3A_161 : vector<16xf32>
        %add3A_163 = arith.addf %add3A_153, %mul3A_162 : vector<16xf32>
        %add3A_164 = arith.constant 2 : i32
        %add3A_165 = vector.broadcast %add3A_164 : i32 to vector<16xi32>
        %add3A_166 = arith.addi %mul3A_138, %add3A_165 : vector<16xi32>
        %gather3A_167 = tpu.vector_load_idx %arg6[%add3A_166] : memref<16000xf32, #tpu.memory_space<vmem>>[vector<16xi32>], vector<16xf32>,
        %add3A_168 = arith.constant 2 : i32
        %add3A_169 = vector.broadcast %add3A_168 : i32 to vector<16xi32>
        %add3A_170 = arith.addi %mul3A_143, %add3A_169 : vector<16xi32>
        %gather3A_171 = tpu.vector_load_idx %arg7[%add3A_170] : memref<16000xf32, #tpu.memory_space<vmem>>[vector<16xi32>], vector<16xf32>,
        %mul3A_172 = arith.mulf %gather3A_167, %gather3A_171 : vector<16xf32>
        %add3A_173 = arith.addf %add3A_163, %mul3A_172 : vector<16xf32>
        %add3A_174 = arith.constant 3 : i32
        %add3A_175 = vector.broadcast %add3A_174 : i32 to vector<16xi32>
        %add3A_176 = arith.addi %mul3A_138, %add3A_175 : vector<16xi32>
        %gather3A_177 = tpu.vector_load_idx %arg6[%add3A_176] : memref<16000xf32, #tpu.memory_space<vmem>>[vector<16xi32>], vector<16xf32>,
        %add3A_178 = arith.constant 3 : i32
        %add3A_179 = vector.broadcast %add3A_178 : i32 to vector<16xi32>
        %add3A_180 = arith.addi %mul3A_143, %add3A_179 : vector<16xi32>
        %gather3A_181 = tpu.vector_load_idx %arg7[%add3A_180] : memref<16000xf32, #tpu.memory_space<vmem>>[vector<16xi32>], vector<16xf32>,
        %mul3A_182 = arith.mulf %gather3A_177, %gather3A_181 : vector<16xf32>
        %add3A_183 = arith.addf %add3A_173, %mul3A_182 : vector<16xf32>
        %add3A_184 = arith.constant 4 : i32
        %add3A_185 = vector.broadcast %add3A_184 : i32 to vector<16xi32>
        %add3A_186 = arith.addi %mul3A_138, %add3A_185 : vector<16xi32>
        %gather3A_187 = tpu.vector_load_idx %arg6[%add3A_186] : memref<16000xf32, #tpu.memory_space<vmem>>[vector<16xi32>], vector<16xf32>,
        %add3A_188 = arith.constant 4 : i32
        %add3A_189 = vector.broadcast %add3A_188 : i32 to vector<16xi32>
        %add3A_190 = arith.addi %mul3A_143, %add3A_189 : vector<16xi32>
        %gather3A_191 = tpu.vector_load_idx %arg7[%add3A_190] : memref<16000xf32, #tpu.memory_space<vmem>>[vector<16xi32>], vector<16xf32>,
        %mul3A_192 = arith.mulf %gather3A_187, %gather3A_191 : vector<16xf32>
        %add3A_193 = arith.addf %add3A_183, %mul3A_192 : vector<16xf32>
        %add3A_194 = arith.constant 5 : i32
        %add3A_195 = vector.broadcast %add3A_194 : i32 to vector<16xi32>
        %add3A_196 = arith.addi %mul3A_138, %add3A_195 : vector<16xi32>
        %gather3A_197 = tpu.vector_load_idx %arg6[%add3A_196] : memref<16000xf32, #tpu.memory_space<vmem>>[vector<16xi32>], vector<16xf32>,
        %add3A_198 = arith.constant 5 : i32
        %add3A_199 = vector.broadcast %add3A_198 : i32 to vector<16xi32>
        %add3A_200 = arith.addi %mul3A_143, %add3A_199 : vector<16xi32>
        %gather3A_201 = tpu.vector_load_idx %arg7[%add3A_200] : memref<16000xf32, #tpu.memory_space<vmem>>[vector<16xi32>], vector<16xf32>,
        %mul3A_202 = arith.mulf %gather3A_197, %gather3A_201 : vector<16xf32>
        %add3A_203 = arith.addf %add3A_193, %mul3A_202 : vector<16xf32>
        %add3A_204 = arith.constant 6 : i32
        %add3A_205 = vector.broadcast %add3A_204 : i32 to vector<16xi32>
        %add3A_206 = arith.addi %mul3A_138, %add3A_205 : vector<16xi32>
        %gather3A_207 = tpu.vector_load_idx %arg6[%add3A_206] : memref<16000xf32, #tpu.memory_space<vmem>>[vector<16xi32>], vector<16xf32>,
        %add3A_208 = arith.constant 6 : i32
        %add3A_209 = vector.broadcast %add3A_208 : i32 to vector<16xi32>
        %add3A_210 = arith.addi %mul3A_143, %add3A_209 : vector<16xi32>
        %gather3A_211 = tpu.vector_load_idx %arg7[%add3A_210] : memref<16000xf32, #tpu.memory_space<vmem>>[vector<16xi32>], vector<16xf32>,
        %mul3A_212 = arith.mulf %gather3A_207, %gather3A_211 : vector<16xf32>
        %add3A_213 = arith.addf %add3A_203, %mul3A_212 : vector<16xf32>
        %add3A_214 = arith.constant 7 : i32
        %add3A_215 = vector.broadcast %add3A_214 : i32 to vector<16xi32>
        %add3A_216 = arith.addi %mul3A_138, %add3A_215 : vector<16xi32>
        %gather3A_217 = tpu.vector_load_idx %arg6[%add3A_216] : memref<16000xf32, #tpu.memory_space<vmem>>[vector<16xi32>], vector<16xf32>,
        %add3A_218 = arith.constant 7 : i32
        %add3A_219 = vector.broadcast %add3A_218 : i32 to vector<16xi32>
        %add3A_220 = arith.addi %mul3A_143, %add3A_219 : vector<16xi32>
        %gather3A_221 = tpu.vector_load_idx %arg7[%add3A_220] : memref<16000xf32, #tpu.memory_space<vmem>>[vector<16xi32>], vector<16xf32>,
        %mul3A_222 = arith.mulf %gather3A_217, %gather3A_221 : vector<16xf32>
        %add3A_223 = arith.addf %add3A_213, %mul3A_222 : vector<16xf32>
        %add3A_224 = arith.constant 8 : i32
        %add3A_225 = vector.broadcast %add3A_224 : i32 to vector<16xi32>
        %add3A_226 = arith.addi %mul3A_138, %add3A_225 : vector<16xi32>
        %gather3A_227 = tpu.vector_load_idx %arg6[%add3A_226] : memref<16000xf32, #tpu.memory_space<vmem>>[vector<16xi32>], vector<16xf32>,
        %add3A_228 = arith.constant 8 : i32
        %add3A_229 = vector.broadcast %add3A_228 : i32 to vector<16xi32>
        %add3A_230 = arith.addi %mul3A_143, %add3A_229 : vector<16xi32>
        %gather3A_231 = tpu.vector_load_idx %arg7[%add3A_230] : memref<16000xf32, #tpu.memory_space<vmem>>[vector<16xi32>], vector<16xf32>,
        %mul3A_232 = arith.mulf %gather3A_227, %gather3A_231 : vector<16xf32>
        %add3A_233 = arith.addf %add3A_223, %mul3A_232 : vector<16xf32>
        %add3A_234 = arith.constant 9 : i32
        %add3A_235 = vector.broadcast %add3A_234 : i32 to vector<16xi32>
        %add3A_236 = arith.addi %mul3A_138, %add3A_235 : vector<16xi32>
        %gather3A_237 = tpu.vector_load_idx %arg6[%add3A_236] : memref<16000xf32, #tpu.memory_space<vmem>>[vector<16xi32>], vector<16xf32>,
        %add3A_238 = arith.constant 9 : i32
        %add3A_239 = vector.broadcast %add3A_238 : i32 to vector<16xi32>
        %add3A_240 = arith.addi %mul3A_143, %add3A_239 : vector<16xi32>
        %gather3A_241 = tpu.vector_load_idx %arg7[%add3A_240] : memref<16000xf32, #tpu.memory_space<vmem>>[vector<16xi32>], vector<16xf32>,
        %mul3A_242 = arith.mulf %gather3A_237, %gather3A_241 : vector<16xf32>
        %add3A_243 = arith.addf %add3A_233, %mul3A_242 : vector<16xf32>
        %add3A_244 = arith.constant 10 : i32
        %add3A_245 = vector.broadcast %add3A_244 : i32 to vector<16xi32>
        %add3A_246 = arith.addi %mul3A_138, %add3A_245 : vector<16xi32>
        %gather3A_247 = tpu.vector_load_idx %arg6[%add3A_246] : memref<16000xf32, #tpu.memory_space<vmem>>[vector<16xi32>], vector<16xf32>,
        %add3A_248 = arith.constant 10 : i32
        %add3A_249 = vector.broadcast %add3A_248 : i32 to vector<16xi32>
        %add3A_250 = arith.addi %mul3A_143, %add3A_249 : vector<16xi32>
        %gather3A_251 = tpu.vector_load_idx %arg7[%add3A_250] : memref<16000xf32, #tpu.memory_space<vmem>>[vector<16xi32>], vector<16xf32>,
        %mul3A_252 = arith.mulf %gather3A_247, %gather3A_251 : vector<16xf32>
        %add3A_253 = arith.addf %add3A_243, %mul3A_252 : vector<16xf32>
        %add3A_254 = arith.constant 11 : i32
        %add3A_255 = vector.broadcast %add3A_254 : i32 to vector<16xi32>
        %add3A_256 = arith.addi %mul3A_138, %add3A_255 : vector<16xi32>
        %gather3A_257 = tpu.vector_load_idx %arg6[%add3A_256] : memref<16000xf32, #tpu.memory_space<vmem>>[vector<16xi32>], vector<16xf32>,
        %add3A_258 = arith.constant 11 : i32
        %add3A_259 = vector.broadcast %add3A_258 : i32 to vector<16xi32>
        %add3A_260 = arith.addi %mul3A_143, %add3A_259 : vector<16xi32>
        %gather3A_261 = tpu.vector_load_idx %arg7[%add3A_260] : memref<16000xf32, #tpu.memory_space<vmem>>[vector<16xi32>], vector<16xf32>,
        %mul3A_262 = arith.mulf %gather3A_257, %gather3A_261 : vector<16xf32>
        %add3A_263 = arith.addf %add3A_253, %mul3A_262 : vector<16xf32>
        %add3A_264 = arith.constant 12 : i32
        %add3A_265 = vector.broadcast %add3A_264 : i32 to vector<16xi32>
        %add3A_266 = arith.addi %mul3A_138, %add3A_265 : vector<16xi32>
        %gather3A_267 = tpu.vector_load_idx %arg6[%add3A_266] : memref<16000xf32, #tpu.memory_space<vmem>>[vector<16xi32>], vector<16xf32>,
        %add3A_268 = arith.constant 12 : i32
        %add3A_269 = vector.broadcast %add3A_268 : i32 to vector<16xi32>
        %add3A_270 = arith.addi %mul3A_143, %add3A_269 : vector<16xi32>
        %gather3A_271 = tpu.vector_load_idx %arg7[%add3A_270] : memref<16000xf32, #tpu.memory_space<vmem>>[vector<16xi32>], vector<16xf32>,
        %mul3A_272 = arith.mulf %gather3A_267, %gather3A_271 : vector<16xf32>
        %add3A_273 = arith.addf %add3A_263, %mul3A_272 : vector<16xf32>
        %add3A_274 = arith.constant 13 : i32
        %add3A_275 = vector.broadcast %add3A_274 : i32 to vector<16xi32>
        %add3A_276 = arith.addi %mul3A_138, %add3A_275 : vector<16xi32>
        %gather3A_277 = tpu.vector_load_idx %arg6[%add3A_276] : memref<16000xf32, #tpu.memory_space<vmem>>[vector<16xi32>], vector<16xf32>,
        %add3A_278 = arith.constant 13 : i32
        %add3A_279 = vector.broadcast %add3A_278 : i32 to vector<16xi32>
        %add3A_280 = arith.addi %mul3A_143, %add3A_279 : vector<16xi32>
        %gather3A_281 = tpu.vector_load_idx %arg7[%add3A_280] : memref<16000xf32, #tpu.memory_space<vmem>>[vector<16xi32>], vector<16xf32>,
        %mul3A_282 = arith.mulf %gather3A_277, %gather3A_281 : vector<16xf32>
        %add3A_283 = arith.addf %add3A_273, %mul3A_282 : vector<16xf32>
        %add3A_284 = arith.constant 14 : i32
        %add3A_285 = vector.broadcast %add3A_284 : i32 to vector<16xi32>
        %add3A_286 = arith.addi %mul3A_138, %add3A_285 : vector<16xi32>
        %gather3A_287 = tpu.vector_load_idx %arg6[%add3A_286] : memref<16000xf32, #tpu.memory_space<vmem>>[vector<16xi32>], vector<16xf32>,
        %add3A_288 = arith.constant 14 : i32
        %add3A_289 = vector.broadcast %add3A_288 : i32 to vector<16xi32>
        %add3A_290 = arith.addi %mul3A_143, %add3A_289 : vector<16xi32>
        %gather3A_291 = tpu.vector_load_idx %arg7[%add3A_290] : memref<16000xf32, #tpu.memory_space<vmem>>[vector<16xi32>], vector<16xf32>,
        %mul3A_292 = arith.mulf %gather3A_287, %gather3A_291 : vector<16xf32>
        %add3A_293 = arith.addf %add3A_283, %mul3A_292 : vector<16xf32>
        %add3A_294 = arith.constant 15 : i32
        %add3A_295 = vector.broadcast %add3A_294 : i32 to vector<16xi32>
        %add3A_296 = arith.addi %mul3A_138, %add3A_295 : vector<16xi32>
        %gather3A_297 = tpu.vector_load_idx %arg6[%add3A_296] : memref<16000xf32, #tpu.memory_space<vmem>>[vector<16xi32>], vector<16xf32>,
        %add3A_298 = arith.constant 15 : i32
        %add3A_299 = vector.broadcast %add3A_298 : i32 to vector<16xi32>
        %add3A_300 = arith.addi %mul3A_143, %add3A_299 : vector<16xi32>
        %gather3A_301 = tpu.vector_load_idx %arg7[%add3A_300] : memref<16000xf32, #tpu.memory_space<vmem>>[vector<16xi32>], vector<16xf32>,
        %mul3A_302 = arith.mulf %gather3A_297, %gather3A_301 : vector<16xf32>
        %add3A_303 = arith.addf %add3A_293, %mul3A_302 : vector<16xf32>
        %swap3A = arith.index_cast %mul3A_134 : i32 to index
        %swap3A_304 = tpu.vector_load %arg10[%swap3A] {strides = array<i32>} : memref<4096xf32, #tpu.memory_space<vmem>>, vector<16xf32>,
        tpu.vector_store %arg10[%swap3A], %add3A_303 {strides = array<i32>} : memref<4096xf32, #tpu.memory_space<vmem>>, vector<16xf32>,
      }
      %scan3A_129 = arith.constant 256 : i32
      %mul3A_130 = arith.constant 4096 : i32
      %mul3A_131 = arith.muli %while3A_81, %mul3A_130 : i32
      "tpu.region"() ({
        %run_scoped3A = tpu.sem_alloc : memref<!tpu.dma_semaphore, #tpu.memory_space<semaphore_mem>>
        %dma_start3A = tpu.memref_slice %arg5[%mul3A_131] : memref<1343488xf32, #tpu.memory_space<hbm>> -> memref<4096xf32, #tpu.memory_space<hbm>>
        %dma_start3A_132 = tpu.memref_slice %arg5[%mul3A_131] : memref<1343488xf32, #tpu.memory_space<hbm>> -> memref<4096xf32, #tpu.memory_space<hbm>>
        tpu.enqueue_dma source(%arg10 : memref<4096xf32, #tpu.memory_space<vmem>>) target(%dma_start3A_132 : memref<4096xf32, #tpu.memory_space<hbm>>) target_semaphore(%run_scoped3A : memref<!tpu.dma_semaphore, #tpu.memory_space<semaphore_mem>>)
        %dma_wait3A = tpu.memref_slice %arg5[%mul3A_131] : memref<1343488xf32, #tpu.memory_space<hbm>> -> memref<4096xf32, #tpu.memory_space<hbm>>
        %dma_wait3A_133 = tpu.memref_slice %arg5[%mul3A_131] : memref<1343488xf32, #tpu.memory_space<hbm>> -> memref<4096xf32, #tpu.memory_space<hbm>>
        tpu.wait_dma2 semaphore(%run_scoped3A : memref<!tpu.dma_semaphore, #tpu.memory_space<semaphore_mem>>) src(%arg10 : memref<4096xf32, #tpu.memory_space<vmem>>) dst(%dma_wait3A_133 : memref<4096xf32, #tpu.memory_space<hbm>>)
        tpu.yield
      }) : () -> ()
    }
    return
  }
}

module attributes {stable_mosaic.version = 14 : i64} {
  func.func @_combine_body(%arg0: memref<328x4096xf32, #tpu.memory_space<vmem>>, %arg1: memref<1xf32, #tpu.memory_space<smem>>, %arg2: memref<4096xf32, #tpu.memory_space<vmem>>) attributes {dimension_semantics = [], scalar_prefetch = 0 : i64, scratch_operands = 0 : i64, tpu.core_type = #tpu.core_type<tc>} {
    %get3A = arith.constant 0 : index
    %get3A_0 = arith.constant 0 : index
    %get3A_1 = vector.load %arg0[%get3A, %get3A_0] : memref<328x4096xf32, #tpu.memory_space<vmem>>, vector<328x4096xf32>
    %reduce_sum3A = arith.constant dense<0.000000e+00> : vector<4096xf32>
    %reduce_sum3A_2 = vector.multi_reduction <add>, %get3A_1, %reduce_sum3A [0] : vector<328x4096xf32> to vector<4096xf32>
    %get3A_3 = arith.constant 0 : index
    %get3A_4 = memref.load %arg1[%get3A_3] : memref<1xf32, #tpu.memory_space<smem>>
    %add3A = vector.broadcast %get3A_4 : f32 to vector<4096xf32>
    %add3A_5 = arith.addf %reduce_sum3A_2, %add3A : vector<4096xf32>
    %logistic3A = arith.negf %add3A_5 : vector<4096xf32>
    %logistic3A_6 = math.exp %logistic3A : vector<4096xf32>
    %logistic3A_7 = arith.constant 1.000000e+00 : f32
    %logistic3A_8 = vector.broadcast %logistic3A_7 : f32 to vector<4096xf32>
    %logistic3A_9 = arith.addf %logistic3A_8, %logistic3A_6 : vector<4096xf32>
    %logistic3A_10 = arith.divf %logistic3A_8, %logistic3A_9 : vector<4096xf32>
    %swap3A = arith.constant 0 : index
    %swap3A_11 = vector.load %arg2[%swap3A] : memref<4096xf32, #tpu.memory_space<vmem>>, vector<4096xf32>
    tpu.vector_store %arg2[%swap3A], %logistic3A_10 {strides = array<i32>} : memref<4096xf32, #tpu.memory_space<vmem>>, vector<4096xf32>,
    return
  }
}

</mosaic_0001>

<sc_bundles>
// kernel: kernel.4.cloned.1.call-start
scs
__scs_entry_jumppad:
0x0: {  	(pc) =	sbr.rel $0x88, $3  }
0x1: {  	(tag) =	ssettag $0x0;
	lr =	simm.s32 $0x1  }
0x2: {  	[smem:$0x3F9D] =	sst lr;
	_ =	strace $0xD0000000  }
0x3: {  	_ = 	snop  }
0x4: {  	_ = 	snop  }
0x5: {  	_ = 	snop  }
0x6: {  	_ = 	snop  }
0x7: {  	_ = 	snop  }
__scs_overlays_trampoline_lowered:
0x8: {  	[smem:$0x3FAC] =	sst s0  }
0x9: {  	[smem:$0x3FAD] =	sst s1  }
0xa: {  	[smem:$0x3FAE] =	sst s2  }
0xb: {  	[smem:$0x3FAF] =	sst s3  }
0xc: {  	[smem:$0x3FB0] =	sst s4  }
0xd: {  	[smem:$0x3FB1] =	sst s5  }
0xe: {  	[smem:$0x3FB2] =	sst s6  }
0xf: {  	[smem:$0x3FB3] =	sst s7  }
0x10: {  	[smem:$0x3FB4] =	sst s8  }
0x11: {  	[smem:$0x3FB5] =	sst s9;
	s0 =	simm.s32 @!p0 $0x0  }
0x12: {  	s1 =	sld [smem:$0x3F9B];
	s0 =	simm.s32 @p0 $0x1  }
0x13: {  	[smem:$0x3FB6] =	sst s0;
	s0 =	simm.s32 @!p1 $0x0  }
0x14: {  	s2 =	sld [smem:$0x3F9A];
	s0 =	simm.s32 @p1 $0x1  }
0x15: {  	[smem:$0x3FB7] =	sst s0;
	s0 =	simm.s32 @!p2 $0x0  }
0x16: {  	s3 =	sld [smem:$0x3FDB];
	s0 =	simm.s32 @p2 $0x1  }
0x17: {  	s4 =	simm.s32 $0x1BF5;
	[smem:$0x3FB9] =	sst s0  }
0x18: {  	s0 =	sld [smem:$0x3F9C];
	_ =	swait.ge [sflag:s4], $0x0  }
0x19: {  	s7 =	sld [smem:$0x3F9D]  }
0x1a: {  	s8 =	sadd.s32 $0xFFFFE003, lr  }
0x1b: {  	s9 =	sadd.s32 $0xFFFFFEF7, lr;
	s5 =	simm.s32 $0xFFFFFFFF;
	p2 =	slt.u32 s8, $0xFFFFF086  }
0x1c: {  	p1 =	slt.u32 s9, $0xF7A;
	s5 =	simm.s32 @!p2 $0x0  }
0x1d: {  	s5 =	simm.s32 @p1 $0x1;
	p0 =	seq.s32 s7, s2  }
0x1e: {  	s7 =	smul.u32 @!p0 $0xF7A, s2;
	p2 =	seq.s32 @!p0 s5, $0x0  }
0x1f: {  	s9 =	smul.u32 $0xF7A, s1;
	s8 =	simm.s32 @!p0 $0x1BF5;
	p2 =	por !p2, p0  }
0x20: {  	[sflag:s8] =	ssyncset.s32 @!p0 $0xFFFFF086;
	s6 =	sadd.s32 @!p0 s3, s7;
	s7 =	simm.s32 @!p0 $0x108  }
0x21: {  	s3 =	sadd.s32 s3, s9;
	s6 =	sadd.s32 @!p0 $0x88, s6;
	s7 =	simm.s32 @p2 $0x1082  }
0x22: {  	[simem:s7], [sflag:s8] =	dma.local @!p0 [hbm:s6], $0xF7A  }
0x23: {  	s9 =	sor.u32 $0xD0000000, s2;
	s6 =	simm.s32 $0x108;
	_ =	swait.ge @!p0 [sflag:s8], $0x0  }
0x24: {  	s3 =	sadd.s32 $0x88, s3;
	s6 =	simm.s32 @!p1 $0x1082;
	[sflag:s4] =	ssyncset.s32 $0xFFFFF086  }
0x25: {  	[simem:s6], [sflag:s4] =	dma.local [hbm:s3], $0xF7A  }
0x26: {  	[smem:$0x3F9D] =	sst s1;
	(tag) =	ssettag s2;
	_ =	strace s9  }
0x27: {  	s1 =	sld [smem:$0x3FAD]  }
0x28: {  	s2 =	sld [smem:$0x3FAE]  }
0x29: {  	s4 =	sld [smem:$0x3FB0]  }
0x2a: {  	p0 =	seq.s32 s5, $0x0;
	s5 =	sld [smem:$0x3FB1]  }
0x2b: {  	s6 =	sld [smem:$0x3FB2]  }
0x2c: {  	s7 =	sld [smem:$0x3FB3]  }
0x2d: {  	s3 =	simm.s32 $0x108;
	s8 =	sld [smem:$0x3FB4]  }
0x2e: {  	s3 =	simm.s32 @!p0 $0x1082;
	s9 =	sld [smem:$0x3FB5]  }
0x2f: {  	lr =	sadd.s32 s0, s3;
	s0 =	sld [smem:$0x3FAC]  }
0x30: {  	s3 =	sld [smem:$0x3FAF]  }
0x31: {  	[smem:$0x3FB8] =	sst s10  }
0x32: {  	s10 =	sld [smem:$0x3FB6];
	_ =	sdelay $0x3  }
0x33: {  	p0 =	seq.s32 s10, $0x1;
	s10 =	sld [smem:$0x3FB8];
	_ =	sdelay $0x3  }
0x34: {  	[smem:$0x3FB8] =	sst s10  }
0x35: {  	s10 =	sld [smem:$0x3FB7];
	_ =	sdelay $0x3  }
0x36: {  	p1 =	seq.s32 s10, $0x1;
	s10 =	sld [smem:$0x3FB8];
	_ =	sdelay $0x3  }
0x37: {  	[smem:$0x3FB8] =	sst s10  }
0x38: {  	s10 =	sld [smem:$0x3FB9]  }
0x39: {  	_ = 	snop;
	(pc) =	sbr.ind lr, $3  }
0x3a: {  	_ = 	snop  }
0x3b: {  	_ = 	snop  }
0x3c: {  	p2 =	seq.s32 s10, $0x1;
	s10 =	sld [smem:$0x3FB8]  }
0x3d: {  	_ =	shalt  }
0x3e: {  	_ =	shalt  }
0x3f: {  	_ =	shalt  }
0x40: {  	_ =	shalt  }
0x41: {  	_ =	shalt  }
0x42: {  	_ =	shalt  }
0x43: {  	_ =	shalt  }
0x44: {  	_ =	shalt  }
0x45: {  	_ =	shalt  }
0x46: {  	_ =	shalt  }
0x47: {  	_ =	shalt  }
0x48: {  	_ =	shalt  }
0x49: {  	_ =	shalt  }
0x4a: {  	_ =	shalt  }
0x4b: {  	_ =	shalt  }
0x4c: {  	_ =	shalt  }
0x4d: {  	_ =	shalt  }
0x4e: {  	_ =	shalt  }
0x4f: {  	_ =	shalt  }
0x50: {  	_ =	shalt  }
0x51: {  	_ =	shalt  }
0x52: {  	_ =	shalt  }
0x53: {  	_ =	shalt  }
0x54: {  	_ =	shalt  }
0x55: {  	_ =	shalt  }
0x56: {  	_ =	shalt  }
0x57: {  	_ =	shalt  }
0x58: {  	_ =	shalt  }
0x59: {  	_ =	shalt  }
0x5a: {  	_ =	shalt  }
0x5b: {  	_ =	shalt  }
0x5c: {  	_ =	shalt  }
0x5d: {  	_ =	shalt  }
0x5e: {  	_ =	shalt  }
0x5f: {  	_ =	shalt  }
0x60: {  	_ =	shalt  }
0x61: {  	_ =	shalt  }
0x62: {  	_ =	shalt  }
0x63: {  	_ =	shalt  }
0x64: {  	_ =	shalt  }
0x65: {  	_ =	shalt  }
0x66: {  	_ =	shalt  }
0x67: {  	_ =	shalt  }
0x68: {  	_ =	shalt  }
0x69: {  	_ =	shalt  }
0x6a: {  	_ =	shalt  }
0x6b: {  	_ =	shalt  }
0x6c: {  	_ =	shalt  }
0x6d: {  	_ =	shalt  }
0x6e: {  	_ =	shalt  }
0x6f: {  	_ =	shalt  }
0x70: {  	_ =	shalt  }
0x71: {  	_ =	shalt  }
0x72: {  	_ =	shalt  }
0x73: {  	_ =	shalt  }
0x74: {  	_ =	shalt  }
0x75: {  	_ =	shalt  }
0x76: {  	_ =	shalt  }
0x77: {  	_ =	shalt  }
0x78: {  	_ =	shalt  }
0x79: {  	_ =	shalt  }
0x7a: {  	_ =	shalt  }
0x7b: {  	_ =	shalt  }
0x7c: {  	_ =	shalt  }
0x7d: {  	_ =	shalt  }
0x7e: {  	_ =	shalt  }
0x7f: {  	_ =	shalt  }
0x80: {  	_ =	shalt  }
0x81: {  	_ =	shalt  }
0x82: {  	_ =	shalt  }
0x83: {  	_ =	shalt  }
0x84: {  	_ =	shalt  }
0x85: {  	_ =	shalt  }
0x86: {  	_ =	shalt  }
0x87: {  	_ =	shalt  }
.Lfunc_end0:
.L_simem_size_0:
called_computation_lowered:
.L_overlay_start_0:
0x88: {  	s2 =	sld [smem:$0x3FD9]  }
0x89: {  	s3 =	sld [smem:$0x3FFE];
	_ =	sdelay $0x1  }
0x8a: {  	s1 =	srdreg.scid  }
0x8b: {  	s0 =	sand.u32 $0x1, s1  }
0x8c: {  	s16 =	sshll.u32 s0, $0xA;
	s2 =	sadd.s32 s3, s2  }
0x8d: {  	s2 =	sadd.s32 s2, s16  }
0x8e: {  	[smem:$0x3FC4] =	sst s2  }
0x8f: {  	_ = 	snop  }
0x90: {  	(tm) =	ssettm $0x1  }
0x91: {  	s17 =	sld [smem:$0x3FFB];
	_ =	sdelay $0x3  }
0x92: {  	_ =	strace s17  }
0x93: {  	s2 =	sld [smem:$0x3FFC];
	_ =	sdelay $0x3  }
0x94: {  	_ =	strace s2  }
0x95: {  	s2 =	sld [smem:$0x3FFD];
	_ =	sdelay $0x3  }
0x96: {  	_ =	strace s2  }
0x97: {  	_ =	strace $0x8FFFFFFF  }
0x98: {  	s18 =	sld [smem:$0x3FDB];
	_ =	sdelay $0x1  }
0x99: {  	s19 =	simm.s32 $_scs_section_size  }
0x9a: {  	s4 =	simm.s32 $_size__tile_overlayer_lowered;
	s5 =	simm.s32 $_tile_overlayer_lowered  }
0x9b: {  	s22 =	simm.s32 $0x1BFF;
	s21 =	sshll.u32 s5, $0x1;
	s2 =	sadd.s32 s19, s18  }
0x9c: {  	s6 =	simm.s32 $0x0;
	s20 =	sshll.u32 s4, $0x1;
	s4 =	sadd.s32 s21, s2  }
0x9d: {  	[timem:s6], [sflag:s22] =	dma.local [hbm:s4], s20  }
0x9e: {  	_ =	swait.ge [sflag:s22], s20  }
0x9f: {  	s3 =	ssub.s32 $0x0, s20;
	[sflag:s22] =	ssyncset.done $0x0  }
0xa0: {  	[sflag:s22] =	ssyncadd.s32 s3;
	_ =	sdelay $0x1  }
0xa1: {  	s23 =	simm.s32 $0x1B8B  }
0xa2: {  	_ =	swait.ge [sflag:s23], $0x1  }
0xa3: {  	[sflag:s23] =	ssyncset.done $0x0  }
0xa4: {  	s25 =	simm.s32 $0x1B8E;
	s24 =	sld [smem:$0x3FFE];
	[sflag:s23] =	ssyncadd.s32 $0xFFFFFFFF  }
0xa5: {  	s26 =	simm.s32 $execute0_lowered;
	[smem:$0x3FD2] =	sst s25  }
0xa6: {  	s4 =	sshll.u32 s26, $0x1;
	_ =	strace $0x80000046;
	[dreg:$0x1] =	wrdreg $0xFFFFFFFF  }
0xa7: {  	s28 =	simm.s32 $_size_execute0_lowered;
	s2 =	sadd.s32 s2, s4;
	[dreg:$0x0] =	wrdreg $0x0  }
0xa8: {  	s4 =	sshll.u32 s28, $0x1;
	[dreg:$0x2] =	wrdreg s2  }
0xa9: {  	[dreg:$0x3] =	wrdreg s4  }
0xaa: {  	[dreg:$0x4] =	wrdreg $0xC0  }
0xab: {  	_ =	task [dreg:s6], $0x5FFFF  }
0xac: {  	[dreg:$0x1] =	wrdreg $0xFFFFFFFF  }
0xad: {  	[dreg:$0x0] =	wrdreg $0x60  }
0xae: {  	[dreg:$0x2] =	wrdreg s24  }
0xaf: {  	[dreg:$0x3] =	wrdreg $0x9  }
0xb0: {  	_ =	task.clear_ibuf [dreg:s6], $0x4FFFF;
	_ =	strace $0x90000046  }
0xb1: {  	s29 =	simm.s32 $0x9;
	_ =	strace $0x80000048  }
0xb2: {  	_ =	swait.ge [sflag:s29], $0x1  }
0xb3: {  	[sflag:s29] =	ssyncadd.s32 $0xFFFFFFFF  }
0xb4: {  	_ =	strace $0x90000048  }
0xb5: {  	_ =	sfence  }
0xb6: {  	s30 =	sld [smem:$0x0];
	_ =	sdelay $0x2  }
0xb7: {  	s31 =	sshll.u32 s1, $0xD;
	s1 =	sshrl.u32 s1, $0x2  }
0xb8: {  	s3 =	sand.u32 $0x4000, s31;
	s1 =	sadd.s32 s1, s30  }
0xb9: {  	s0 =	sor.u32 s3, s0;
	s1 =	sshll.u32 s1, $0x11  }
0xba: {  	s0 =	sor.u32 s1, s0  }
0xbb: {  	s0 =	sadd.s32 $0x8F2B, s0  }
0xbc: {  	[sflag:s0] =	ssyncadd.remote.s32 $0x1  }
0xbd: {  	_ =	sfence.sel $0xFFFF  }
0xbe: {  	[dreg:$0x0] =	wrdreg $0xFFFFFFFF;
	(pc) =	sbr.abs _section_cstart, $3  }
0xbf: {  	[dreg:$0x1] =	wrdreg $0xFFFFFFFF  }
0xc0: {  	_ =	task.clear_ibuf [dreg:s6], $0x2FFFF;
	_ =	strace $0x9FFFFFFF  }
0xc1: {  	(tm) =	ssettm $0x7FFFFFFF  }
tec
execute0_lowered:
.L_overlay_start_1:
0x0: {  	(tag) =	ssettag $0x1  }
0x1: {  	s0 =	rddreg [dreg:$0x0]  }
0x2: {  	s1 =	srdreg.scid;
	s4 =	stileid.u32  }
0x3: {  	s2 =	simm.s32 $0x0;
	s1 =	sand.u32 $0x1, s1;
	s5 =	sshll.u32 s4, $0x1  }
0x4: {  	[smem:$0x7FF] =	sst s2;
	s7 =	ssub.s32 $0x2, s1;
	s1 =	sor.u32 s1, s5  }
0x5: {  	s3 =	sadd.s32 $0x400, s0;
	s29 =	sshrl.u32 s7, $0x1;
	s8 =	sshll.u32 s1, $0x4  }
0x6: {  	s28 =	sadd.s32 $0x3800, s0;
	s30 =	ssub.s32 s7, s29;
	s7 =	sadd.s32 s3, s8  }
0x7: {  	_ =	strace $0x80000047;
	[dreg:$0x2] =	wrdreg s28;
	s10 =	sadd.s32 $0x200, s7  }
0x8: {  	s11 =	sadd.s32 $0x400, s7;
	[dreg:$0x3] =	wrdreg s10  }
0x9: {  	s12 =	sadd.s32 $0x600, s7;
	[dreg:$0x4] =	wrdreg s11  }
0xa: {  	s13 =	sadd.s32 $0x800, s7;
	[dreg:$0x5] =	wrdreg s12  }
0xb: {  	s14 =	sadd.s32 $0xA00, s7;
	[dreg:$0x6] =	wrdreg s13  }
0xc: {  	s15 =	sadd.s32 $0xC00, s7;
	[dreg:$0x7] =	wrdreg s14  }
0xd: {  	s16 =	sadd.s32 $0xE00, s7;
	[dreg:$0x8] =	wrdreg s15  }
0xe: {  	s17 =	sadd.s32 $0x1000, s7;
	[dreg:$0x9] =	wrdreg s16  }
0xf: {  	s18 =	sadd.s32 $0x1200, s7;
	[dreg:$0xa] =	wrdreg s17  }
0x10: {  	s19 =	sadd.s32 $0x1400, s7;
	[dreg:$0xb] =	wrdreg s18  }
0x11: {  	s6 =	sadd.s32 $0x4600, s0;
	s20 =	sadd.s32 $0x1600, s7;
	[dreg:$0xc] =	wrdreg s19  }
0x12: {  	s21 =	sadd.s32 s8, s6;
	s22 =	sadd.s32 $0x1800, s7;
	[dreg:$0xd] =	wrdreg s20  }
0x13: {  	s4 =	sadd.s32 $0xA50E00, s0;
	s23 =	sadd.s32 $0x28A00, s21;
	[dreg:$0xe] =	wrdreg s22  }
0x14: {  	s24 =	smul.u32 $0xA, s1;
	s25 =	sadd.s32 $0x28C00, s21;
	[dreg:$0xf] =	wrdreg s23  }
0x15: {  	s9 =	smin.u32 s1, $0x5;
	s5 =	sadd.s32 $0x28E00, s21;
	[dreg:$0x10] =	wrdreg s25  }
0x16: {  	p0 =	slt.u32 s1, $0x5;
	s0 =	smax.u32 s30, $0x1;
	[dreg:$0x11] =	wrdreg s5  }
0x17: {  	s1 =	simm.s32 $0xB;
	s26 =	sadd.s32 $0x1A00, s7;
	[dreg:$0x12] =	wrdreg s0  }
0x18: {  	s1 =	simm.s32 @!p0 $0xA;
	s28 =	sadd.s32 $0x1C00, s7;
	[dreg:$0x13] =	wrdreg s26  }
0x19: {  	s29 =	sadd.s32 $0x1E00, s7;
	s30 =	sadd.s32 $0x2000, s7;
	[dreg:$0x14] =	wrdreg s28  }
0x1a: {  	s31 =	sadd.s32 $0x2200, s7;
	s8 =	sadd.s32 $0x2A00, s7;
	[dreg:$0x15] =	wrdreg s29  }
0x1b: {  	s22 =	sadd.s32 s9, s24;
	[dreg:$0x16] =	wrdreg s30;
	s0 =	sadd.s32 $0x2400, s7  }
0x1c: {  	s5 =	sadd.s32 $0x2800, s7;
	s9 =	sadd.s32 $0x2C00, s7;
	s10 =	sadd.s32 $0x2E00, s7  }
0x1d: {  	s11 =	sadd.s32 $0x3000, s7;
	s12 =	sadd.s32 $0x3200, s7;
	s13 =	simm.s32 $0xAD00  }
0x1e: {  	s14 =	simm.s32 $0x1;
	s15 =	simm.s32 $0x12080;
	s16 =	simm.s32 $0x7D00  }
0x1f: {  	s17 =	simm.s32 $0x8D00;
	s18 =	simm.s32 $0x3E80;
	s19 =	simm.s32 $0x9D00  }
0x20: {  	v0 =	vimm.f32 $0.0e+00;
	s20 =	simm.s32 $0x0;
	s24 =	sadd.s32 s1, s22;
	s1 =	sadd.s32 $0x2600, s7  }
.LBB2_1:
0x21: {  	s21 =	rddreg [dreg:$0x2]  }
0x22: {  	[tilespmem:s13], [sflag:$0x1] =	stream.linear.gather [hbm4b:s21+s2], $0x6600, $0x38;
	[tilespmem:$0x12100] =	vst v63  }
0x23: {  	_ =	swait.ge [sflag:s14], $0x6600  }
0x24: {  	[sflag:s14] =	ssyncset.done $0x0  }
0x25: {  	s23 =	simm.s32 $0x11300;
	[sflag:s14] =	ssyncadd.s32 $0xFFFF9A00  }
0x26: {  	[tilespmem:s23], [sflag:$0x1] =	stream.linear.gather [hbm4b:s7+s2], $0x80, $0x38;
	[tilespmem:$0x12100] =	vst v63  }
0x27: {  	_ =	swait.ge [sflag:s14], $0x80  }
0x28: {  	[sflag:s14] =	ssyncset.done $0x0  }
0x29: {  	s23 =	simm.s32 $0x11380;
	s25 =	rddreg [dreg:$0x3];
	[sflag:s14] =	ssyncadd.s32 $0xFFFFFF80  }
0x2a: {  	[tilespmem:s23], [sflag:$0x1] =	stream.linear.gather [hbm4b:s25+s2], $0x80, $0x38;
	[tilespmem:$0x12100] =	vst v63  }
0x2b: {  	_ =	swait.ge [sflag:s14], $0x80  }
0x2c: {  	[sflag:s14] =	ssyncset.done $0x0  }
0x2d: {  	s28 =	simm.s32 $0x11400;
	s26 =	rddreg [dreg:$0x4];
	[sflag:s14] =	ssyncadd.s32 $0xFFFFFF80  }
0x2e: {  	[tilespmem:s28], [sflag:$0x1] =	stream.linear.gather [hbm4b:s26+s2], $0x80, $0x38;
	[tilespmem:$0x12100] =	vst v63  }
0x2f: {  	_ =	swait.ge [sflag:s14], $0x80  }
0x30: {  	[sflag:s14] =	ssyncset.done $0x0  }
0x31: {  	s30 =	simm.s32 $0x11480;
	s29 =	rddreg [dreg:$0x5];
	[sflag:s14] =	ssyncadd.s32 $0xFFFFFF80  }
0x32: {  	[tilespmem:s30], [sflag:$0x1] =	stream.linear.gather [hbm4b:s29+s2], $0x80, $0x38;
	[tilespmem:$0x12100] =	vst v63  }
0x33: {  	_ =	swait.ge [sflag:s14], $0x80  }
0x34: {  	[sflag:s14] =	ssyncset.done $0x0  }
0x35: {  	s25 =	simm.s32 $0x11500;
	s23 =	rddreg [dreg:$0x6];
	[sflag:s14] =	ssyncadd.s32 $0xFFFFFF80  }
0x36: {  	[tilespmem:s25], [sflag:$0x1] =	stream.linear.gather [hbm4b:s23+s2], $0x80, $0x38;
	[tilespmem:$0x12100] =	vst v63  }
0x37: {  	_ =	swait.ge [sflag:s14], $0x80  }
0x38: {  	[sflag:s14] =	ssyncset.done $0x0  }
0x39: {  	s28 =	simm.s32 $0x11580;
	s26 =	rddreg [dreg:$0x7];
	[sflag:s14] =	ssyncadd.s32 $0xFFFFFF80  }
0x3a: {  	[tilespmem:s28], [sflag:$0x1] =	stream.linear.gather [hbm4b:s26+s2], $0x80, $0x38;
	[tilespmem:$0x12100] =	vst v63  }
0x3b: {  	_ =	swait.ge [sflag:s14], $0x80  }
0x3c: {  	[sflag:s14] =	ssyncset.done $0x0  }
0x3d: {  	s30 =	simm.s32 $0x11600;
	s29 =	rddreg [dreg:$0x8];
	[sflag:s14] =	ssyncadd.s32 $0xFFFFFF80  }
0x3e: {  	[tilespmem:s30], [sflag:$0x1] =	stream.linear.gather [hbm4b:s29+s2], $0x80, $0x38;
	[tilespmem:$0x12100] =	vst v63  }
0x3f: {  	_ =	swait.ge [sflag:s14], $0x80  }
0x40: {  	[sflag:s14] =	ssyncset.done $0x0  }
0x41: {  	s25 =	simm.s32 $0x11680;
	s23 =	rddreg [dreg:$0x9];
	[sflag:s14] =	ssyncadd.s32 $0xFFFFFF80  }
0x42: {  	[tilespmem:s25], [sflag:$0x1] =	stream.linear.gather [hbm4b:s23+s2], $0x80, $0x38;
	[tilespmem:$0x12100] =	vst v63  }
0x43: {  	_ =	swait.ge [sflag:s14], $0x80  }
0x44: {  	[sflag:s14] =	ssyncset.done $0x0  }
0x45: {  	s28 =	simm.s32 $0x11700;
	s26 =	rddreg [dreg:$0xa];
	[sflag:s14] =	ssyncadd.s32 $0xFFFFFF80  }
0x46: {  	[tilespmem:s28], [sflag:$0x1] =	stream.linear.gather [hbm4b:s26+s2], $0x80, $0x38;
	[tilespmem:$0x12100] =	vst v63  }
0x47: {  	_ =	swait.ge [sflag:s14], $0x80  }
0x48: {  	[sflag:s14] =	ssyncset.done $0x0  }
0x49: {  	s30 =	simm.s32 $0x11780;
	s29 =	rddreg [dreg:$0xb];
	[sflag:s14] =	ssyncadd.s32 $0xFFFFFF80  }
0x4a: {  	[tilespmem:s30], [sflag:$0x1] =	stream.linear.gather [hbm4b:s29+s2], $0x80, $0x38;
	[tilespmem:$0x12100] =	vst v63  }
0x4b: {  	_ =	swait.ge [sflag:s14], $0x80  }
0x4c: {  	[sflag:s14] =	ssyncset.done $0x0  }
0x4d: {  	s25 =	simm.s32 $0x11800;
	s23 =	rddreg [dreg:$0xc];
	[sflag:s14] =	ssyncadd.s32 $0xFFFFFF80  }
0x4e: {  	[tilespmem:s25], [sflag:$0x1] =	stream.linear.gather [hbm4b:s23+s2], $0x80, $0x38;
	[tilespmem:$0x12100] =	vst v63  }
0x4f: {  	_ =	swait.ge [sflag:s14], $0x80  }
0x50: {  	[sflag:s14] =	ssyncset.done $0x0  }
0x51: {  	s28 =	simm.s32 $0x11880;
	s26 =	rddreg [dreg:$0xd];
	[sflag:s14] =	ssyncadd.s32 $0xFFFFFF80  }
0x52: {  	[tilespmem:s28], [sflag:$0x1] =	stream.linear.gather [hbm4b:s26+s2], $0x80, $0x38;
	[tilespmem:$0x12100] =	vst v63  }
0x53: {  	_ =	swait.ge [sflag:s14], $0x80  }
0x54: {  	[sflag:s14] =	ssyncset.done $0x0  }
0x55: {  	s30 =	simm.s32 $0x11900;
	s29 =	rddreg [dreg:$0xe];
	[sflag:s14] =	ssyncadd.s32 $0xFFFFFF80  }
0x56: {  	[tilespmem:s30], [sflag:$0x1] =	stream.linear.gather [hbm4b:s29+s2], $0x80, $0x38;
	[tilespmem:$0x12100] =	vst v63  }
0x57: {  	_ =	swait.ge [sflag:s14], $0x80  }
0x58: {  	[sflag:s14] =	ssyncset.done $0x0  }
0x59: {  	s25 =	simm.s32 $0x11980;
	s23 =	rddreg [dreg:$0x13];
	[sflag:s14] =	ssyncadd.s32 $0xFFFFFF80  }
0x5a: {  	[tilespmem:s25], [sflag:$0x1] =	stream.linear.gather [hbm4b:s23+s2], $0x80, $0x38;
	[tilespmem:$0x12100] =	vst v63  }
0x5b: {  	_ =	swait.ge [sflag:s14], $0x80  }
0x5c: {  	[sflag:s14] =	ssyncset.done $0x0  }
0x5d: {  	s28 =	simm.s32 $0x11A00;
	s26 =	rddreg [dreg:$0x14];
	[sflag:s14] =	ssyncadd.s32 $0xFFFFFF80  }
0x5e: {  	[tilespmem:s28], [sflag:$0x1] =	stream.linear.gather [hbm4b:s26+s2], $0x80, $0x38;
	[tilespmem:$0x12100] =	vst v63  }
0x5f: {  	_ =	swait.ge [sflag:s14], $0x80  }
0x60: {  	[sflag:s14] =	ssyncset.done $0x0  }
0x61: {  	s30 =	simm.s32 $0x11A80;
	s29 =	rddreg [dreg:$0x15];
	[sflag:s14] =	ssyncadd.s32 $0xFFFFFF80  }
0x62: {  	[tilespmem:s30], [sflag:$0x1] =	stream.linear.gather [hbm4b:s29+s2], $0x80, $0x38;
	[tilespmem:$0x12100] =	vst v63  }
0x63: {  	_ =	swait.ge [sflag:s14], $0x80  }
0x64: {  	[sflag:s14] =	ssyncset.done $0x0  }
0x65: {  	s26 =	simm.s32 $0x11B00;
	s25 =	rddreg [dreg:$0x16];
	[sflag:s14] =	ssyncadd.s32 $0xFFFFFF80  }
0x66: {  	[tilespmem:s26], [sflag:$0x1] =	stream.linear.gather [hbm4b:s25+s2], $0x80, $0x38;
	[tilespmem:$0x12100] =	vst v63  }
0x67: {  	_ =	swait.ge [sflag:s14], $0x80  }
0x68: {  	[sflag:s14] =	ssyncset.done $0x0  }
0x69: {  	s28 =	simm.s32 $0x11B80;
	[sflag:s14] =	ssyncadd.s32 $0xFFFFFF80  }
0x6a: {  	[tilespmem:s28], [sflag:$0x1] =	stream.linear.gather [hbm4b:s31+s2], $0x80, $0x38;
	[tilespmem:$0x12100] =	vst v63  }
0x6b: {  	_ =	swait.ge [sflag:s14], $0x80  }
0x6c: {  	[sflag:s14] =	ssyncset.done $0x0  }
0x6d: {  	s29 =	simm.s32 $0x11C00;
	[sflag:s14] =	ssyncadd.s32 $0xFFFFFF80  }
0x6e: {  	[tilespmem:s29], [sflag:$0x1] =	stream.linear.gather [hbm4b:s0+s2], $0x80, $0x38;
	[tilespmem:$0x12100] =	vst v63  }
0x6f: {  	_ =	swait.ge [sflag:s14], $0x80  }
0x70: {  	[sflag:s14] =	ssyncset.done $0x0  }
0x71: {  	s30 =	simm.s32 $0x11C80;
	[sflag:s14] =	ssyncadd.s32 $0xFFFFFF80  }
0x72: {  	[tilespmem:s30], [sflag:$0x1] =	stream.linear.gather [hbm4b:s1+s2], $0x80, $0x38;
	[tilespmem:$0x12100] =	vst v63  }
0x73: {  	_ =	swait.ge [sflag:s14], $0x80  }
0x74: {  	[sflag:s14] =	ssyncset.done $0x0  }
0x75: {  	s23 =	simm.s32 $0x11D00;
	[sflag:s14] =	ssyncadd.s32 $0xFFFFFF80  }
0x76: {  	[tilespmem:s23], [sflag:$0x1] =	stream.linear.gather [hbm4b:s5+s2], $0x80, $0x38;
	[tilespmem:$0x12100] =	vst v63  }
0x77: {  	_ =	swait.ge [sflag:s14], $0x80  }
0x78: {  	[sflag:s14] =	ssyncset.done $0x0  }
0x79: {  	s25 =	simm.s32 $0x11D80;
	[sflag:s14] =	ssyncadd.s32 $0xFFFFFF80  }
0x7a: {  	[tilespmem:s25], [sflag:$0x1] =	stream.linear.gather [hbm4b:s8+s2], $0x80, $0x38;
	[tilespmem:$0x12100] =	vst v63  }
0x7b: {  	_ =	swait.ge [sflag:s14], $0x80  }
0x7c: {  	[sflag:s14] =	ssyncset.done $0x0  }
0x7d: {  	s26 =	simm.s32 $0x11E00;
	[sflag:s14] =	ssyncadd.s32 $0xFFFFFF80  }
0x7e: {  	[tilespmem:s26], [sflag:$0x1] =	stream.linear.gather [hbm4b:s9+s2], $0x80, $0x38;
	[tilespmem:$0x12100] =	vst v63  }
0x7f: {  	_ =	swait.ge [sflag:s14], $0x80  }
0x80: {  	[sflag:s14] =	ssyncset.done $0x0  }
0x81: {  	s28 =	simm.s32 $0x11E80;
	[sflag:s14] =	ssyncadd.s32 $0xFFFFFF80  }
0x82: {  	[tilespmem:s28], [sflag:$0x1] =	stream.linear.gather [hbm4b:s10+s2], $0x80, $0x38;
	[tilespmem:$0x12100] =	vst v63  }
0x83: {  	_ =	swait.ge [sflag:s14], $0x80  }
0x84: {  	[sflag:s14] =	ssyncset.done $0x0  }
0x85: {  	s29 =	simm.s32 $0x11F00;
	[sflag:s14] =	ssyncadd.s32 $0xFFFFFF80  }
0x86: {  	[tilespmem:s29], [sflag:$0x1] =	stream.linear.gather [hbm4b:s11+s2], $0x80, $0x38;
	[tilespmem:$0x12100] =	vst v63  }
0x87: {  	_ =	swait.ge [sflag:s14], $0x80  }
0x88: {  	[sflag:s14] =	ssyncset.done $0x0  }
0x89: {  	s30 =	simm.s32 $0x11F80;
	[sflag:s14] =	ssyncadd.s32 $0xFFFFFF80  }
0x8a: {  	[tilespmem:s30], [sflag:$0x1] =	stream.linear.gather [hbm4b:s12+s2], $0x80, $0x38;
	[tilespmem:$0x12100] =	vst v63  }
0x8b: {  	_ =	swait.ge [sflag:s14], $0x80  }
0x8c: {  	[sflag:s14] =	ssyncset.done $0x0  }
0x8d: {  	s21 =	simm.s32 $0x0;
	[sflag:s14] =	ssyncadd.s32 $0xFFFFFF80  }
0x8e: {  	v1 =	vld [tilespmem:s21+$0x11300]  }
0x8f: {  	v2 =	vld [tilespmem:s21+$0x11380];
	_ =	sdelay $0x1  }
0x90: {  	v4 =	vld [tilespmem:s21+$0x11400]  }
0x91: {  	v3 =	vld [tilespmem:s21+$0x11500]  }
0x92: {  	v5 =	vld [tilespmem:s21+$0x11480]  }
0x93: {  	v6 =	vld [tilespmem:s21+$0x11580];
	v2 =	vadd.s32 $0x3E8, v2  }
0x94: {  	v7 =	vld [tilespmem:s21+$0x11600]  }
0x95: {  	v8 =	vld [tilespmem:s21+$0x11680];
	v4 =	vadd.s32 $0x7D0, v4  }
0x96: {  	v1 =	vld.idx.msk [tilespmem:v1+s13+$0x0], $0xffff  }
0x97: {  	v9 =	vld [tilespmem:s21+$0x11700];
	v5 =	vadd.s32 $0xBB8, v5  }
0x98: {  	v2 =	vld.idx.msk [tilespmem:v2+s13+$0x0], $0xffff  }
0x99: {  	v10 =	vld [tilespmem:s21+$0x11780];
	v3 =	vadd.s32 $0xFA0, v3  }
0x9a: {  	v4 =	vld.idx.msk [tilespmem:v4+s13+$0x0], $0xffff  }
0x9b: {  	v11 =	vld [tilespmem:s21+$0x11D00];
	v6 =	vadd.s32 $0x1388, v6;
	v1 =	vadd.f32 $0.0e+00, v1  }
0x9c: {  	v5 =	vld.idx.msk [tilespmem:v5+s13+$0x0], $0xffff  }
0x9d: {  	v12 =	vld [tilespmem:s21+$0x11800];
	v7 =	vadd.s32 $0x1770, v7;
	v1 =	vadd.f32 v2, v1  }
0x9e: {  	v2 =	vld.idx.msk [tilespmem:v3+s13+$0x0], $0xffff  }
0x9f: {  	v13 =	vld [tilespmem:s21+$0x11880];
	v3 =	vadd.s32 $0x1B58, v8;
	v1 =	vadd.f32 v4, v1  }
0xa0: {  	v4 =	vld.idx.msk [tilespmem:v6+s13+$0x0], $0xffff  }
0xa1: {  	v59 =	vld [tilespmem:s21+$0x11A80];
	v6 =	vadd.s32 $0x1F40, v9;
	v1 =	vadd.f32 v5, v1  }
0xa2: {  	v5 =	vld.idx.msk [tilespmem:v7+s13+$0x0], $0xffff  }
0xa3: {  	v8 =	vld [tilespmem:s21+$0x11900];
	v7 =	vadd.s32 $0x2328, v10;
	v1 =	vadd.f32 v2, v1  }
0xa4: {  	v2 =	vld.idx.msk [tilespmem:v3+s13+$0x0], $0xffff  }
0xa5: {  	v9 =	vld [tilespmem:s21+$0x11980];
	v3 =	vadd.s32 $0x2710, v12;
	v1 =	vadd.f32 v4, v1  }
0xa6: {  	v4 =	vld.idx.msk [tilespmem:v6+s13+$0x0], $0xffff  }
0xa7: {  	v10 =	vld [tilespmem:s21+$0x11A00];
	v6 =	vadd.s32 $0x2AF8, v13;
	v1 =	vadd.f32 v5, v1  }
0xa8: {  	v5 =	vld.idx.msk [tilespmem:v7+s13+$0x0], $0xffff  }
0xa9: {  	v60 =	vld [tilespmem:s21+$0x11B00];
	v7 =	vadd.s32 $0x2EE0, v8;
	v1 =	vadd.f32 v2, v1  }
0xaa: {  	v2 =	vld.idx.msk [tilespmem:v3+s13+$0x0], $0xffff  }
0xab: {  	v61 =	vld [tilespmem:s21+$0x11D80];
	v3 =	vadd.s32 $0x32C8, v9;
	v1 =	vadd.f32 v4, v1  }
0xac: {  	v6 =	vld.idx.msk [tilespmem:v6+s13+$0x0], $0xffff  }
0xad: {  	v8 =	vld [tilespmem:s21+$0x11B80];
	v4 =	vadd.s32 $0x36B0, v10;
	v1 =	vadd.f32 v5, v1  }
0xae: {  	v5 =	vld.idx.msk [tilespmem:v7+s13+$0x0], $0xffff  }
0xaf: {  	v9 =	vld [tilespmem:s21+$0x11C00];
	v7 =	vadd.s32 $0x3A98, v59;
	v1 =	vadd.f32 v2, v1  }
0xb0: {  	v2 =	vld.idx.msk [tilespmem:v3+s13+$0x0], $0xffff  }
0xb1: {  	v10 =	vld [tilespmem:s21+$0x11C80];
	v3 =	vadd.s32 $0x3E80, v60;
	v1 =	vadd.f32 v6, v1  }
0xb2: {  	v4 =	vld.idx.msk [tilespmem:v4+s13+$0x0], $0xffff  }
0xb3: {  	v8 =	vadd.s32 $0x4268, v8;
	v6 =	vld [tilespmem:s21+$0x11F80];
	v1 =	vadd.f32 v5, v1  }
0xb4: {  	v5 =	vld.idx.msk [tilespmem:v7+s13+$0x0], $0xffff  }
0xb5: {  	v62 =	vld [tilespmem:s21+$0x11F00];
	v7 =	vadd.s32 $0x4650, v9;
	v1 =	vadd.f32 v2, v1  }
0xb6: {  	v3 =	vld.idx.msk [tilespmem:v3+s13+$0x0], $0xffff;
	v2 =	vadd.s32 $0x4A38, v10  }
0xb7: {  	v10 =	vld [tilespmem:s21+$0x11E00];
	v1 =	vadd.f32 v4, v1  }
0xb8: {  	v8 =	vld.idx.msk [tilespmem:v8+s13+$0x0], $0xffff;
	v6 =	vadd.s32 $0x61A8, v6  }
0xb9: {  	v9 =	vld [tilespmem:s21+$0x11E80];
	v4 =	vadd.s32 $0x4E20, v11;
	v1 =	vadd.f32 v5, v1  }
0xba: {  	v5 =	vld.idx.msk [tilespmem:v7+s13+$0x0], $0xffff  }
0xbb: {  	v7 =	vadd.s32 $0x5208, v61;
	v63 =	vld.idx.msk [tilespmem:v2+s13+$0x0], $0xffff;
	v2 =	vadd.f32 v3, v1  }
0xbc: {  	v3 =	vadd.s32 $0x55F0, v10  }
0xbd: {  	v11 =	vadd.s32 $0x5DC0, v62;
	v1 =	vld.idx.msk [tilespmem:v6+s13+$0x0], $0xffff;
	v6 =	vadd.f32 v8, v2  }
0xbe: {  	v9 =	vadd.s32 $0x59D8, v9;
	v4 =	vld.idx.msk [tilespmem:v4+s13+$0x0], $0xffff  }
0xbf: {  	v5 =	vadd.f32 v5, v6  }
0xc0: {  	v7 =	vld.idx.msk [tilespmem:v7+s13+$0x0], $0xffff  }
0xc1: {  	v6 =	vld.idx.msk [tilespmem:v3+s13+$0x0], $0xffff;
	v3 =	vadd.f32 v63, v5  }
0xc2: {  	v2 =	vld.idx.msk [tilespmem:v11+s13+$0x0], $0xffff  }
0xc3: {  	s25 =	simm.s32 $0x10;
	v10 =	vld.idx.msk [tilespmem:v9+s13+$0x0], $0xffff;
	[tilespmem:s21+$0x12080] =	vst v0;
	v4 =	vadd.f32 v4, v3  }
0xc4: {  	v5 =	vld [tilespmem:s25+$0x11480]  }
0xc5: {  	v8 =	vld [tilespmem:s25+$0x11400];
	v7 =	vadd.f32 v7, v4  }
0xc6: {  	v9 =	vld [tilespmem:s25+$0x11380]  }
0xc7: {  	v3 =	vld [tilespmem:s25+$0x11500];
	v7 =	vadd.f32 v6, v7  }
0xc8: {  	v4 =	vld [tilespmem:s25+$0x11300]  }
0xc9: {  	v6 =	vld [tilespmem:s25+$0x11580];
	v10 =	vadd.f32 v10, v7  }
0xca: {  	s23 =	simm.s32 $0x80;
	v7 =	vld [tilespmem:s25+$0x11600]  }
.LBB2_2:
0xcb: {  	p0 =	sne.s32 s23, $0x1C0;
	v8 =	vadd.s32 $0x7D0, v8;
	v11 =	vld [tilespmem:s25+$0x11680];
	v2 =	vadd.f32 v2, v10;
	s26 =	smov.u32 s23;
	s23 =	sadd.s32 $0x40, s23  }
0xcc: {  	v5 =	vadd.s32 $0xBB8, v5;
	v10 =	vld [tilespmem:s25+$0x11700]  }
0xcd: {  	v3 =	vadd.s32 $0xFA0, v3;
	v9 =	vadd.s32 $0x3E8, v9;
	v12 =	vld [tilespmem:s25+$0x11780];
	v1 =	vadd.f32 v1, v2  }
0xce: {  	v2 =	vadd.s32 $0x1388, v6;
	v6 =	vld [tilespmem:s25+$0x11D00]  }
0xcf: {  	v7 =	vadd.s32 $0x1770, v7;
	v13 =	vld [tilespmem:s25+$0x11800];
	[tilespmem:s21+$0x12000] =	vst v1;
	s21 =	smov.u32 s25  }
0xd0: {  	v1 =	vld.idx.msk [tilespmem:v4+s13+$0x0], $0xffff;
	v4 =	vadd.s32 $0x1B58, v11  }
0xd1: {  	v8 =	vld.idx.msk [tilespmem:v8+s13+$0x0], $0xffff;
	v10 =	vadd.s32 $0x1F40, v10  }
0xd2: {  	v9 =	vld.idx.msk [tilespmem:v9+s13+$0x0], $0xffff  }
0xd3: {  	v11 =	vadd.s32 $0x2328, v12;
	v12 =	vld [tilespmem:s21+$0x11880]  }
0xd4: {  	v5 =	vld.idx.msk [tilespmem:v5+s13+$0x0], $0xffff  }
0xd5: {  	v14 =	vld [tilespmem:s21+$0x11900]  }
0xd6: {  	v13 =	vadd.s32 $0x2710, v13;
	v1 =	vadd.f32 $0.0e+00, v1;
	v3 =	vld.idx.msk [tilespmem:v3+s13+$0x0], $0xffff  }
0xd7: {  	v15 =	vld [tilespmem:s21+$0x11980]  }
0xd8: {  	v1 =	vadd.f32 v9, v1;
	v2 =	vld.idx.msk [tilespmem:v2+s13+$0x0], $0xffff;
	v9 =	vadd.s32 $0x2AF8, v12  }
0xd9: {  	v12 =	vld [tilespmem:s21+$0x11A00]  }
0xda: {  	v1 =	vadd.f32 v8, v1;
	v7 =	vld.idx.msk [tilespmem:v7+s13+$0x0], $0xffff;
	v8 =	vadd.s32 $0x2EE0, v14  }
0xdb: {  	v14 =	vld [tilespmem:s21+$0x11A80]  }
0xdc: {  	v1 =	vadd.f32 v5, v1;
	v4 =	vld.idx.msk [tilespmem:v4+s13+$0x0], $0xffff;
	v5 =	vadd.s32 $0x32C8, v15  }
0xdd: {  	v15 =	vld [tilespmem:s21+$0x11B00]  }
0xde: {  	v1 =	vadd.f32 v3, v1;
	v3 =	vld.idx.msk [tilespmem:v10+s13+$0x0], $0xffff;
	v10 =	vadd.s32 $0x36B0, v12  }
0xdf: {  	v12 =	vld [tilespmem:s21+$0x11B80]  }
0xe0: {  	v1 =	vadd.f32 v2, v1;
	v2 =	vld.idx.msk [tilespmem:v11+s13+$0x0], $0xffff;
	v11 =	vadd.s32 $0x3A98, v14  }
0xe1: {  	v14 =	vld [tilespmem:s21+$0x11C00]  }
0xe2: {  	v1 =	vadd.f32 v7, v1;
	v7 =	vld.idx.msk [tilespmem:v13+s13+$0x0], $0xffff;
	v13 =	vadd.s32 $0x3E80, v15  }
0xe3: {  	v15 =	vld [tilespmem:s21+$0x11C80]  }
0xe4: {  	v1 =	vadd.f32 v4, v1;
	v4 =	vld.idx.msk [tilespmem:v9+s13+$0x0], $0xffff;
	v9 =	vadd.s32 $0x4268, v12  }
0xe5: {  	v12 =	vld [tilespmem:s21+$0x11E00]  }
0xe6: {  	v1 =	vadd.f32 v3, v1;
	v3 =	vadd.s32 $0x4650, v14;
	v14 =	vld [tilespmem:s21+$0x11D80]  }
0xe7: {  	v8 =	vld.idx.msk [tilespmem:v8+s13+$0x0], $0xffff  }
0xe8: {  	v1 =	vadd.f32 v2, v1;
	v2 =	vadd.s32 $0x4A38, v15;
	v15 =	vld [tilespmem:s21+$0x11F00]  }
0xe9: {  	v5 =	vld.idx.msk [tilespmem:v5+s13+$0x0], $0xffff  }
0xea: {  	v1 =	vadd.f32 v7, v1;
	v7 =	vadd.s32 $0x55F0, v12;
	v12 =	vld [tilespmem:s21+$0x11E80]  }
0xeb: {  	v10 =	vld.idx.msk [tilespmem:v10+s13+$0x0], $0xffff  }
0xec: {  	v1 =	vadd.f32 v4, v1;
	v4 =	vld [tilespmem:s21+$0x11F80]  }
0xed: {  	v11 =	vld.idx.msk [tilespmem:v11+s13+$0x0], $0xffff  }
0xee: {  	v6 =	vadd.s32 $0x4E20, v6;
	v1 =	vadd.f32 v8, v1  }
0xef: {  	v8 =	vld.idx.msk [tilespmem:v13+s13+$0x0], $0xffff  }
0xf0: {  	v1 =	vadd.f32 v5, v1  }
0xf1: {  	v5 =	vld.idx.msk [tilespmem:v9+s13+$0x0], $0xffff;
	v4 =	vadd.s32 $0x61A8, v4  }
0xf2: {  	v1 =	vadd.f32 v10, v1  }
0xf3: {  	v9 =	vadd.s32 $0x5DC0, v15;
	v3 =	vld.idx.msk [tilespmem:v3+s13+$0x0], $0xffff  }
0xf4: {  	v10 =	vadd.s32 $0x5208, v14;
	v1 =	vadd.f32 v11, v1  }
0xf5: {  	v12 =	vadd.s32 $0x59D8, v12;
	v11 =	vld.idx.msk [tilespmem:v2+s13+$0x0], $0xffff  }
0xf6: {  	v2 =	vadd.f32 v8, v1;
	v1 =	vld.idx.msk [tilespmem:v4+s13+$0x0], $0xffff  }
0xf7: {  	v4 =	vld.idx.msk [tilespmem:v6+s13+$0x0], $0xffff  }
0xf8: {  	v5 =	vadd.f32 v5, v2;
	v2 =	vld.idx.msk [tilespmem:v9+s13+$0x0], $0xffff  }
0xf9: {  	v6 =	vld.idx.msk [tilespmem:v10+s13+$0x0], $0xffff  }
0xfa: {  	v3 =	vadd.f32 v3, v5;
	v10 =	vld.idx.msk [tilespmem:v12+s13+$0x0], $0xffff  }
0xfb: {  	v7 =	vld.idx.msk [tilespmem:v7+s13+$0x0], $0xffff  }
0xfc: {  	v3 =	vadd.f32 v11, v3;
	[tilespmem:s21+$0x12080] =	vst v0;
	_ =	sdelay $0x1  }
0xfd: {  	s25 =	sshra.s32 s26, $0x2;
	v4 =	vadd.f32 v4, v3  }
0xfe: {  	v3 =	vld [tilespmem:s25+$0x11500]  }
0xff: {  	v6 =	vadd.f32 v6, v4;
	v5 =	vld [tilespmem:s25+$0x11480]  }
.Ltmp0:
0x100: {  	v8 =	vld [tilespmem:s25+$0x11400];
	(pc) =	sbr.rel @p0 .LBB2_2-.Ltmp0, $4  }
0x101: {  	v7 =	vadd.f32 v7, v6;
	v4 =	vld [tilespmem:s25+$0x11300]  }
0x102: {  	v9 =	vld [tilespmem:s25+$0x11380]  }
0x103: {  	v10 =	vadd.f32 v10, v7;
	v6 =	vld [tilespmem:s25+$0x11580]  }
0x104: {  	v7 =	vld [tilespmem:s25+$0x11600]  }
0x105: {  	v11 =	vld [tilespmem:s25+$0x11680];
	v2 =	vadd.f32 v2, v10  }
0x106: {  	v21 =	vld [tilespmem:s25+$0x11700]  }
0x107: {  	v12 =	vld [tilespmem:s25+$0x11780];
	v9 =	vadd.s32 $0x3E8, v9;
	v1 =	vadd.f32 v1, v2  }
0x108: {  	v13 =	vld [tilespmem:s25+$0x11800]  }
0x109: {  	v8 =	vadd.s32 $0x7D0, v8;
	v2 =	vld [tilespmem:s25+$0x11D00];
	[tilespmem:s21+$0x12000] =	vst v1  }
0x10a: {  	v1 =	vld.idx.msk [tilespmem:v4+s13+$0x0], $0xffff  }
0x10b: {  	v22 =	vadd.s32 $0xBB8, v5  }
0x10c: {  	v23 =	vld.idx.msk [tilespmem:v9+s13+$0x0], $0xffff  }
0x10d: {  	v3 =	vadd.s32 $0xFA0, v3  }
0x10e: {  	v8 =	vld.idx.msk [tilespmem:v8+s13+$0x0], $0xffff  }
0x10f: {  	v6 =	vadd.s32 $0x1388, v6;
	v1 =	vadd.f32 $0.0e+00, v1  }
0x110: {  	v4 =	vld.idx.msk [tilespmem:v22+s13+$0x0], $0xffff  }
0x111: {  	v7 =	vadd.s32 $0x1770, v7;
	v1 =	vadd.f32 v23, v1  }
0x112: {  	v3 =	vld.idx.msk [tilespmem:v3+s13+$0x0], $0xffff  }
0x113: {  	v24 =	vadd.s32 $0x1B58, v11;
	v1 =	vadd.f32 v8, v1  }
0x114: {  	v6 =	vld.idx.msk [tilespmem:v6+s13+$0x0], $0xffff  }
0x115: {  	v25 =	vadd.s32 $0x1F40, v21;
	v26 =	vld [tilespmem:s25+$0x11880];
	v1 =	vadd.f32 v4, v1  }
0x116: {  	v27 =	vld.idx.msk [tilespmem:v7+s13+$0x0], $0xffff  }
0x117: {  	v28 =	vadd.s32 $0x2328, v12;
	v29 =	vld [tilespmem:s25+$0x11900];
	v1 =	vadd.f32 v3, v1  }
0x118: {  	v3 =	vld.idx.msk [tilespmem:v24+s13+$0x0], $0xffff  }
0x119: {  	v30 =	vadd.s32 $0x2710, v13;
	v31 =	vld [tilespmem:s25+$0x11980];
	v1 =	vadd.f32 v6, v1  }
0x11a: {  	v32 =	vld.idx.msk [tilespmem:v25+s13+$0x0], $0xffff  }
0x11b: {  	v34 =	vld [tilespmem:s25+$0x11A00];
	v33 =	vadd.s32 $0x2AF8, v26;
	v1 =	vadd.f32 v27, v1  }
0x11c: {  	v35 =	vld.idx.msk [tilespmem:v28+s13+$0x0], $0xffff  }
0x11d: {  	v37 =	vld [tilespmem:s25+$0x11A80];
	v36 =	vadd.s32 $0x2EE0, v29;
	v1 =	vadd.f32 v3, v1  }
0x11e: {  	v3 =	vld.idx.msk [tilespmem:v30+s13+$0x0], $0xffff  }
0x11f: {  	v39 =	vld [tilespmem:s25+$0x11B00];
	v38 =	vadd.s32 $0x32C8, v31;
	v1 =	vadd.f32 v32, v1  }
0x120: {  	v40 =	vld.idx.msk [tilespmem:v33+s13+$0x0], $0xffff  }
0x121: {  	v42 =	vld [tilespmem:s25+$0x11B80];
	v41 =	vadd.s32 $0x36B0, v34;
	v1 =	vadd.f32 v35, v1  }
0x122: {  	v43 =	vld.idx.msk [tilespmem:v36+s13+$0x0], $0xffff  }
0x123: {  	v45 =	vld [tilespmem:s25+$0x11C00];
	v44 =	vadd.s32 $0x3A98, v37;
	v1 =	vadd.f32 v3, v1  }
0x124: {  	v3 =	vld.idx.msk [tilespmem:v38+s13+$0x0], $0xffff  }
0x125: {  	v47 =	vld [tilespmem:s25+$0x11C80];
	v46 =	vadd.s32 $0x3E80, v39;
	v1 =	vadd.f32 v40, v1  }
0x126: {  	v48 =	vld.idx.msk [tilespmem:v41+s13+$0x0], $0xffff  }
0x127: {  	v49 =	vadd.s32 $0x4268, v42;
	v1 =	vadd.f32 v43, v1  }
0x128: {  	v50 =	vld.idx.msk [tilespmem:v44+s13+$0x0], $0xffff  }
0x129: {  	v52 =	vld [tilespmem:s25+$0x11D80];
	v51 =	vadd.s32 $0x4650, v45;
	v1 =	vadd.f32 v3, v1  }
0x12a: {  	v3 =	vld.idx.msk [tilespmem:v46+s13+$0x0], $0xffff  }
0x12b: {  	v53 =	vld [tilespmem:s25+$0x11E00];
	v54 =	vadd.s32 $0x4A38, v47;
	v1 =	vadd.f32 v48, v1  }
0x12c: {  	v55 =	vld.idx.msk [tilespmem:v49+s13+$0x0], $0xffff  }
0x12d: {  	v56 =	vld [tilespmem:s25+$0x11E80];
	v2 =	vadd.s32 $0x4E20, v2;
	v1 =	vadd.f32 v50, v1  }
0x12e: {  	v57 =	vld.idx.msk [tilespmem:v51+s13+$0x0], $0xffff  }
0x12f: {  	v58 =	vld [tilespmem:s25+$0x11F00];
	v9 =	vadd.s32 $0x5208, v52;
	v1 =	vadd.f32 v3, v1  }
0x130: {  	v3 =	vld.idx.msk [tilespmem:v54+s13+$0x0], $0xffff  }
0x131: {  	v59 =	vld [tilespmem:s25+$0x11F80];
	v5 =	vadd.s32 $0x55F0, v53;
	v1 =	vadd.f32 v55, v1  }
0x132: {  	v2 =	vld.idx.msk [tilespmem:v2+s13+$0x0], $0xffff  }
0x133: {  	v60 =	vadd.s32 $0x59D8, v56;
	v1 =	vadd.f32 v57, v1  }
0x134: {  	v61 =	vld.idx.msk [tilespmem:v9+s13+$0x0], $0xffff  }
0x135: {  	v7 =	vadd.s32 $0x5DC0, v58;
	v1 =	vadd.f32 v3, v1  }
0x136: {  	v3 =	vld.idx.msk [tilespmem:v5+s13+$0x0], $0xffff  }
0x137: {  	v62 =	vadd.s32 $0x61A8, v59;
	v1 =	vadd.f32 v2, v1  }
0x138: {  	v2 =	vld.idx.msk [tilespmem:v60+s13+$0x0], $0xffff  }
0x139: {  	v1 =	vadd.f32 v61, v1  }
0x13a: {  	v63 =	vld.idx.msk [tilespmem:v7+s13+$0x0], $0xffff  }
0x13b: {  	v1 =	vadd.f32 v3, v1  }
0x13c: {  	v3 =	vld.idx.msk [tilespmem:v62+s13+$0x0], $0xffff  }
0x13d: {  	v1 =	vadd.f32 v2, v1;
	_ =	sdelay $0x1  }
0x13e: {  	v1 =	vadd.f32 v63, v1;
	_ =	sdelay $0x1  }
0x13f: {  	v1 =	vadd.f32 v3, v1  }
0x140: {  	[tilespmem:s25+$0x12080] =	vst v0  }
0x141: {  	s28 =	rddreg [dreg:$0xf];
	s23 =	simm.s32 $0x12000;
	[tilespmem:s25+$0x12000] =	vst v1  }
0x142: {  	[hbm4b:s28+s2] =	stream.linear.scatter [tilespmem:s23], [sflag:$0x1], $0x80, $0x38;
	[tilespmem:$0x12100] =	vst v63  }
0x143: {  	_ =	swait.ge [sflag:s14], $0x80  }
0x144: {  	[sflag:s14] =	ssyncset.done $0x0  }
0x145: {  	s29 =	rddreg [dreg:$0x10];
	[sflag:s14] =	ssyncadd.s32 $0xFFFFFF80  }
0x146: {  	[hbm4b:s29+s2] =	stream.linear.scatter [tilespmem:s15], [sflag:$0x1], $0x80, $0x38;
	[tilespmem:$0x12100] =	vst v63  }
0x147: {  	_ =	swait.ge [sflag:s14], $0x80  }
0x148: {  	[sflag:s14] =	ssyncset.done $0x0  }
0x149: {  	s30 =	rddreg [dreg:$0x11];
	[sflag:s14] =	ssyncadd.s32 $0xFFFFFF80  }
0x14a: {  	[hbm4b:s30+s2] =	stream.linear.scatter [tilespmem:s15], [sflag:$0x1], $0x80, $0x38;
	[tilespmem:$0x12100] =	vst v63  }
0x14b: {  	_ =	swait.ge [sflag:s14], $0x80  }
0x14c: {  	[sflag:s14] =	ssyncset.done $0x0  }
0x14d: {  	s21 =	smov.u32 s22;
	[sflag:s14] =	ssyncadd.s32 $0xFFFFFF80  }
.LBB2_4:
0x14e: {  	s23 =	smul.u32 $0x13B2, s21;
	_ =	sdelay $0x1  }
0x14f: {  	s23 =	sshrl.u32 s23, $0x10  }
0x150: {  	s25 =	smul.u32 $0xFFFFFFF3, s23;
	_ =	sdelay $0x1  }
0x151: {  	s25 =	sadd.s32 s21, s25  }
0x152: {  	s26 =	sadd.s32 s23, s25  }
0x153: {  	s29 =	ssub.s32 s23, s25;
	p0 =	sgt.s32 s26, $0x18;
	s28 =	sadd.s32 $0xFFFFFFE7, s26  }
0x154: {  	p1 =	seq.s32 s25, $0x0;
	s25 =	sadd.s32 $0x19, s29;
	s26 =	smov.u32 @p0 s28  }
0x155: {  	p0 =	sgt.s32 s25, $0x18;
	s26 =	smov.u32 @p1 s23  }
0x156: {  	s25 =	smov.u32 @p0 s29;
	s23 =	sshll.u32 s26, $0x9  }
0x157: {  	s28 =	simm.s32 $0x0;
	s25 =	simm.s32 @p1 $0x19;
	s23 =	sand.u32 $0x1FFFFE00, s23  }
0x158: {  	s30 =	sshll.u32 s25, $0x9;
	s29 =	smul.u32 $0x6590, s25;
	s23 =	sadd.s32 s3, s23  }
0x159: {  	[tilespmem:s16], [sflag:$0x1] =	stream.linear.gather [hbm4b:s23+s28], $0x1000, $0x38;
	[tilespmem:$0x12100] =	vst v63  }
0x15a: {  	s23 =	sand.u32 $0x1FFFFE00, s30;
	s30 =	smul.u32 $0x3E8, s26;
	_ =	swait.ge [sflag:s14], $0x1000  }
0x15b: {  	s25 =	smul.u32 $0x3E8, s25;
	[sflag:s14] =	ssyncset.done $0x0  }
0x15c: {  	s23 =	sadd.s32 s3, s23;
	s29 =	sadd.s32 s30, s29;
	[sflag:s14] =	ssyncadd.s32 $0xFFFFF000  }
0x15d: {  	[tilespmem:s17], [sflag:$0x1] =	stream.linear.gather [hbm4b:s23+s28], $0x1000, $0x38;
	[tilespmem:$0x12100] =	vst v63  }
0x15e: {  	s26 =	smul.u32 $0x6590, s26;
	s23 =	sshll.u32 s29, $0x1;
	_ =	swait.ge [sflag:s14], $0x1000  }
0x15f: {  	s23 =	sand.u32 $0x1FFFFFF0, s23;
	[sflag:s14] =	ssyncset.done $0x0  }
0x160: {  	s30 =	sadd.s32 s25, s26;
	s23 =	sadd.s32 s4, s23;
	[sflag:s14] =	ssyncadd.s32 $0xFFFFF000  }
0x161: {  	[tilespmem:s28], [sflag:$0x1] =	stream.linear.gather [hbm4b:s23+s28], $0x3E80, $0x38;
	[tilespmem:$0x12100] =	vst v63  }
0x162: {  	s23 =	sshll.u32 s30, $0x1;
	_ =	swait.ge [sflag:s14], $0x3E80  }
0x163: {  	s23 =	sand.u32 $0x1FFFFFF0, s23;
	[sflag:s14] =	ssyncset.done $0x0  }
0x164: {  	s23 =	sadd.s32 s4, s23;
	[sflag:s14] =	ssyncadd.s32 $0xFFFFC180  }
0x165: {  	[tilespmem:s18], [sflag:$0x1] =	stream.linear.gather [hbm4b:s23+s28], $0x3E80, $0x38;
	[tilespmem:$0x12100] =	vst v63  }
0x166: {  	_ =	swait.ge [sflag:s14], $0x3E80  }
0x167: {  	[sflag:s14] =	ssyncset.done $0x0  }
0x168: {  	s23 =	simm.s32 $0x0;
	[sflag:s14] =	ssyncadd.s32 $0xFFFFC180  }
0x169: {  	v1 =	vld [tilespmem:s23+$0x8D00]  }
0x16a: {  	v2 =	vld [tilespmem:s23+$0x7D00];
	_ =	sdelay $0x3  }
0x16b: {  	v3 =	vshll.u32 v1, $0x4  }
0x16c: {  	v1 =	vshll.u32 v2, $0x4  }
0x16d: {  	v2 =	vor.u32 $0x1, v1  }
0x16e: {  	v4 =	vor.u32 $0x1, v3  }
0x16f: {  	v5 =	vor.u32 $0x2, v1  }
0x170: {  	v7 =	vor.u32 $0x2, v3;
	v6 =	vld.idx.msk [tilespmem:v3+s18+$0x0], $0xffff  }
0x171: {  	v9 =	vor.u32 $0x3, v1;
	v8 =	vld.idx.msk [tilespmem:v1+s2+$0x0], $0xffff  }
0x172: {  	v10 =	vor.u32 $0x3, v3;
	v2 =	vld.idx.msk [tilespmem:v2+s2+$0x0], $0xffff  }
0x173: {  	v12 =	vor.u32 $0x4, v3;
	v4 =	vld.idx.msk [tilespmem:v4+s18+$0x0], $0xffff  }
0x174: {  	v11 =	vor.u32 $0x4, v1;
	v5 =	vld.idx.msk [tilespmem:v5+s2+$0x0], $0xffff  }
0x175: {  	v14 =	vor.u32 $0x5, v3;
	v7 =	vld.idx.msk [tilespmem:v7+s18+$0x0], $0xffff  }
0x176: {  	v13 =	vor.u32 $0x5, v1;
	v15 =	vor.u32 $0x6, v1;
	v60 =	vor.u32 $0xD, v1;
	v9 =	vld.idx.msk [tilespmem:v9+s2+$0x0], $0xffff  }
0x177: {  	v16 =	vor.u32 $0x7, v1;
	v53 =	vor.u32 $0x7, v3;
	v10 =	vld.idx.msk [tilespmem:v10+s18+$0x0], $0xffff;
	v6 =	vmul.f32 v6, v8  }
0x178: {  	v17 =	vor.u32 $0x8, v1;
	v54 =	vor.u32 $0x9, v1;
	v55 =	vor.u32 $0xA, v1;
	v12 =	vld.idx.msk [tilespmem:v12+s18+$0x0], $0xffff  }
0x179: {  	v8 =	vld.idx.msk [tilespmem:v11+s2+$0x0], $0xffff;
	v11 =	vor.u32 $0x6, v3;
	v2 =	vmul.f32 v4, v2;
	v6 =	vadd.f32 $0.0e+00, v6  }
0x17a: {  	v57 =	vor.u32 $0xB, v1;
	v59 =	vor.u32 $0xC, v1;
	v62 =	vor.u32 $0xE, v1;
	v14 =	vld.idx.msk [tilespmem:v14+s18+$0x0], $0xffff  }
0x17b: {  	v63 =	vor.u32 $0xF, v1;
	v1 =	vld.idx.msk [tilespmem:v60+s2+$0x0], $0xffff;
	v5 =	vmul.f32 v7, v5;
	v2 =	vadd.f32 v2, v6  }
0x17c: {  	v4 =	vld.idx.msk [tilespmem:v13+s2+$0x0], $0xffff;
	v7 =	vor.u32 $0x8, v3  }
0x17d: {  	v6 =	vld.idx.msk [tilespmem:v15+s2+$0x0], $0xffff;
	v2 =	vadd.f32 v5, v2;
	v5 =	vmul.f32 v10, v9  }
0x17e: {  	v11 =	vld.idx.msk [tilespmem:v11+s18+$0x0], $0xffff  }
0x17f: {  	v13 =	vld.idx.msk [tilespmem:v53+s18+$0x0], $0xffff;
	v10 =	vor.u32 $0x9, v3;
	v2 =	vadd.f32 v5, v2;
	v5 =	vmul.f32 v12, v8  }
0x180: {  	v56 =	vor.u32 $0xA, v3;
	v9 =	vld.idx.msk [tilespmem:v16+s2+$0x0], $0xffff  }
0x181: {  	v7 =	vld.idx.msk [tilespmem:v7+s18+$0x0], $0xffff;
	v4 =	vmul.f32 v14, v4;
	v2 =	vadd.f32 v5, v2  }
0x182: {  	v58 =	vor.u32 $0xB, v3;
	v8 =	vld.idx.msk [tilespmem:v17+s2+$0x0], $0xffff  }
0x183: {  	v5 =	vld.idx.msk [tilespmem:v54+s2+$0x0], $0xffff;
	v2 =	vadd.f32 v4, v2;
	v4 =	vmul.f32 v11, v6  }
0x184: {  	v10 =	vld.idx.msk [tilespmem:v10+s18+$0x0], $0xffff  }
0x185: {  	v12 =	vld.idx.msk [tilespmem:v56+s18+$0x0], $0xffff;
	v11 =	vor.u32 $0xC, v3;
	v2 =	vadd.f32 v4, v2;
	v4 =	vmul.f32 v13, v9  }
0x186: {  	v61 =	vor.u32 $0xD, v3;
	v6 =	vld.idx.msk [tilespmem:v55+s2+$0x0], $0xffff  }
0x187: {  	v14 =	vld.idx.msk [tilespmem:v58+s18+$0x0], $0xffff;
	v2 =	vadd.f32 v4, v2;
	v4 =	vmul.f32 v7, v8  }
0x188: {  	v9 =	vld.idx.msk [tilespmem:v57+s2+$0x0], $0xffff;
	v8 =	vor.u32 $0xE, v3  }
0x189: {  	v7 =	vld.idx.msk [tilespmem:v59+s2+$0x0], $0xffff;
	v2 =	vadd.f32 v4, v2;
	v4 =	vmul.f32 v10, v5  }
0x18a: {  	v11 =	vld.idx.msk [tilespmem:v11+s18+$0x0], $0xffff;
	v10 =	vor.u32 $0xF, v3  }
0x18b: {  	v6 =	vmul.f32 v12, v6;
	v3 =	vld.idx.msk [tilespmem:v61+s18+$0x0], $0xffff;
	v4 =	vadd.f32 v4, v2  }
0x18c: {  	v2 =	vld.idx.msk [tilespmem:v62+s2+$0x0], $0xffff  }
0x18d: {  	v9 =	vmul.f32 v14, v9;
	v5 =	vld.idx.msk [tilespmem:v8+s18+$0x0], $0xffff;
	v8 =	vadd.f32 v6, v4  }
0x18e: {  	v4 =	vld.idx.msk [tilespmem:v63+s2+$0x0], $0xffff  }
0x18f: {  	s26 =	simm.s32 $0x10;
	v6 =	vld.idx.msk [tilespmem:v10+s18+$0x0], $0xffff;
	v8 =	vadd.f32 v9, v8;
	v9 =	vmul.f32 v11, v7  }
0x190: {  	s25 =	simm.s32 $0x80;
	v7 =	vld [tilespmem:s26+$0x8D00]  }
.LBB2_5:
0x191: {  	p0 =	sne.s32 s25, $0x3FC0;
	v10 =	vld [tilespmem:s26+$0x7D00];
	v8 =	vadd.f32 v9, v8;
	v1 =	vmul.f32 v3, v1;
	_ =	sdelay $0x1  }
0x192: {  	v2 =	vmul.f32 v5, v2;
	v1 =	vadd.f32 v1, v8;
	_ =	sdelay $0x1  }
0x193: {  	v3 =	vshll.u32 v7, $0x4;
	v1 =	vadd.f32 v2, v1;
	v2 =	vmul.f32 v6, v4  }
0x194: {  	v4 =	vshll.u32 v10, $0x4  }
0x195: {  	v5 =	vor.u32 $0x1, v4;
	v1 =	vadd.f32 v2, v1  }
0x196: {  	v2 =	vor.u32 $0x1, v3  }
0x197: {  	v6 =	vor.u32 $0x2, v4;
	[tilespmem:s23+$0x9D00] =	vst v1;
	s23 =	smov.u32 s26  }
0x198: {  	v7 =	vor.u32 $0x2, v3;
	v1 =	vld.idx.msk [tilespmem:v3+s18+$0x0], $0xffff  }
0x199: {  	v9 =	vor.u32 $0x3, v4;
	v8 =	vld.idx.msk [tilespmem:v4+s2+$0x0], $0xffff  }
0x19a: {  	v10 =	vor.u32 $0x3, v3;
	v5 =	vld.idx.msk [tilespmem:v5+s2+$0x0], $0xffff  }
0x19b: {  	v11 =	vor.u32 $0x4, v4;
	v2 =	vld.idx.msk [tilespmem:v2+s18+$0x0], $0xffff  }
0x19c: {  	v12 =	vor.u32 $0x4, v3;
	v6 =	vld.idx.msk [tilespmem:v6+s2+$0x0], $0xffff  }
0x19d: {  	v13 =	vor.u32 $0x5, v4;
	v7 =	vld.idx.msk [tilespmem:v7+s18+$0x0], $0xffff  }
0x19e: {  	v14 =	vor.u32 $0x5, v3;
	v9 =	vld.idx.msk [tilespmem:v9+s2+$0x0], $0xffff  }
0x19f: {  	v1 =	vmul.f32 v1, v8;
	v8 =	vld.idx.msk [tilespmem:v10+s18+$0x0], $0xffff;
	v10 =	vor.u32 $0x6, v4  }
0x1a0: {  	v15 =	vor.u32 $0x6, v3;
	v11 =	vld.idx.msk [tilespmem:v11+s2+$0x0], $0xffff  }
0x1a1: {  	v1 =	vadd.f32 $0.0e+00, v1;
	v2 =	vmul.f32 v2, v5;
	v5 =	vld.idx.msk [tilespmem:v12+s18+$0x0], $0xffff;
	v12 =	vor.u32 $0x7, v4  }
0x1a2: {  	v16 =	vor.u32 $0x7, v3;
	v13 =	vld.idx.msk [tilespmem:v13+s2+$0x0], $0xffff  }
0x1a3: {  	v1 =	vadd.f32 v2, v1;
	v2 =	vmul.f32 v7, v6;
	v7 =	vor.u32 $0x8, v4;
	v6 =	vld.idx.msk [tilespmem:v14+s18+$0x0], $0xffff  }
0x1a4: {  	v14 =	vor.u32 $0x8, v3;
	v10 =	vld.idx.msk [tilespmem:v10+s2+$0x0], $0xffff  }
0x1a5: {  	v1 =	vadd.f32 v2, v1;
	v2 =	vmul.f32 v8, v9;
	v9 =	vor.u32 $0x9, v4;
	v8 =	vld.idx.msk [tilespmem:v15+s18+$0x0], $0xffff  }
0x1a6: {  	v15 =	vor.u32 $0x9, v3;
	v12 =	vld.idx.msk [tilespmem:v12+s2+$0x0], $0xffff  }
0x1a7: {  	v1 =	vadd.f32 v2, v1;
	v2 =	vmul.f32 v5, v11;
	v11 =	vor.u32 $0xA, v4;
	v5 =	vld.idx.msk [tilespmem:v16+s18+$0x0], $0xffff  }
0x1a8: {  	v16 =	vor.u32 $0xA, v3;
	v7 =	vld.idx.msk [tilespmem:v7+s2+$0x0], $0xffff  }
0x1a9: {  	v1 =	vadd.f32 v2, v1;
	v2 =	vmul.f32 v6, v13;
	v13 =	vor.u32 $0xB, v4;
	v6 =	vld.idx.msk [tilespmem:v14+s18+$0x0], $0xffff  }
0x1aa: {  	v14 =	vor.u32 $0xB, v3;
	v9 =	vld.idx.msk [tilespmem:v9+s2+$0x0], $0xffff  }
0x1ab: {  	v1 =	vadd.f32 v2, v1;
	v2 =	vmul.f32 v8, v10;
	v10 =	vor.u32 $0xC, v4;
	v8 =	vld.idx.msk [tilespmem:v15+s18+$0x0], $0xffff  }
0x1ac: {  	v15 =	vor.u32 $0xC, v3;
	v11 =	vld.idx.msk [tilespmem:v11+s2+$0x0], $0xffff  }
0x1ad: {  	v1 =	vadd.f32 v2, v1;
	v2 =	vmul.f32 v5, v12;
	v12 =	vor.u32 $0xD, v4;
	v5 =	vld.idx.msk [tilespmem:v16+s18+$0x0], $0xffff  }
0x1ae: {  	v16 =	vor.u32 $0xD, v3;
	v13 =	vld.idx.msk [tilespmem:v13+s2+$0x0], $0xffff  }
0x1af: {  	v1 =	vadd.f32 v2, v1;
	v2 =	vmul.f32 v6, v7;
	v7 =	vor.u32 $0xE, v4;
	v6 =	vld.idx.msk [tilespmem:v14+s18+$0x0], $0xffff  }
0x1b0: {  	v14 =	vor.u32 $0xE, v3;
	v10 =	vld.idx.msk [tilespmem:v10+s2+$0x0], $0xffff  }
0x1b1: {  	v4 =	vor.u32 $0xF, v4;
	v2 =	vadd.f32 v2, v1;
	v8 =	vmul.f32 v8, v9;
	v9 =	vld.idx.msk [tilespmem:v15+s18+$0x0], $0xffff  }
0x1b2: {  	v1 =	vld.idx.msk [tilespmem:v12+s2+$0x0], $0xffff;
	v12 =	vor.u32 $0xF, v3  }
0x1b3: {  	v8 =	vadd.f32 v8, v2;
	v5 =	vmul.f32 v5, v11;
	v3 =	vld.idx.msk [tilespmem:v16+s18+$0x0], $0xffff  }
.Ltmp1:
0x1b4: {  	v2 =	vld.idx.msk [tilespmem:v7+s2+$0x0], $0xffff;
	(pc) =	sbr.rel @p0 .LBB2_5-.Ltmp1, $4  }
0x1b5: {  	v7 =	vadd.f32 v5, v8;
	v6 =	vmul.f32 v6, v13;
	v5 =	vld.idx.msk [tilespmem:v14+s18+$0x0], $0xffff  }
0x1b6: {  	v4 =	vld.idx.msk [tilespmem:v4+s2+$0x0], $0xffff  }
0x1b7: {  	s26 =	sshra.s32 s25, $0x2;
	v8 =	vadd.f32 v6, v7;
	v9 =	vmul.f32 v9, v10;
	v6 =	vld.idx.msk [tilespmem:v12+s18+$0x0], $0xffff  }
0x1b8: {  	s25 =	sadd.s32 $0x40, s25;
	v7 =	vld [tilespmem:s26+$0x8D00]  }
0x1b9: {  	v10 =	vld [tilespmem:s26+$0x7D00];
	v8 =	vadd.f32 v9, v8;
	v1 =	vmul.f32 v3, v1;
	_ =	sdelay $0x1  }
0x1ba: {  	v2 =	vmul.f32 v5, v2;
	v1 =	vadd.f32 v1, v8;
	_ =	sdelay $0x1  }
0x1bb: {  	v3 =	vshll.u32 v7, $0x4;
	v1 =	vadd.f32 v2, v1;
	v2 =	vmul.f32 v6, v4  }
0x1bc: {  	v29 =	vshll.u32 v10, $0x4  }
0x1bd: {  	v30 =	vor.u32 $0x1, v29;
	v1 =	vadd.f32 v2, v1  }
0x1be: {  	v2 =	vor.u32 $0x1, v3  }
0x1bf: {  	v7 =	vor.u32 $0x2, v3;
	[tilespmem:s23+$0x9D00] =	vst v1  }
0x1c0: {  	v31 =	vor.u32 $0x2, v29;
	v1 =	vld.idx.msk [tilespmem:v3+s18+$0x0], $0xffff  }
0x1c1: {  	v34 =	vor.u32 $0x3, v3;
	v32 =	vld.idx.msk [tilespmem:v29+s2+$0x0], $0xffff  }
0x1c2: {  	v33 =	vor.u32 $0x3, v29;
	v5 =	vld.idx.msk [tilespmem:v30+s2+$0x0], $0xffff  }
0x1c3: {  	v12 =	vor.u32 $0x4, v3;
	v2 =	vld.idx.msk [tilespmem:v2+s18+$0x0], $0xffff  }
0x1c4: {  	v11 =	vor.u32 $0x4, v29;
	v7 =	vld.idx.msk [tilespmem:v7+s18+$0x0], $0xffff  }
0x1c5: {  	v14 =	vor.u32 $0x5, v3;
	v6 =	vld.idx.msk [tilespmem:v31+s2+$0x0], $0xffff  }
0x1c6: {  	v13 =	vor.u32 $0x5, v29;
	v35 =	vld.idx.msk [tilespmem:v34+s18+$0x0], $0xffff;
	v1 =	vmul.f32 v1, v32  }
0x1c7: {  	v15 =	vor.u32 $0x6, v3;
	v9 =	vld.idx.msk [tilespmem:v33+s2+$0x0], $0xffff  }
0x1c8: {  	v36 =	vor.u32 $0x6, v29;
	v37 =	vld.idx.msk [tilespmem:v12+s18+$0x0], $0xffff;
	v2 =	vmul.f32 v2, v5;
	v1 =	vadd.f32 $0.0e+00, v1  }
0x1c9: {  	v16 =	vor.u32 $0x7, v3;
	v11 =	vld.idx.msk [tilespmem:v11+s2+$0x0], $0xffff  }
0x1ca: {  	v38 =	vor.u32 $0x7, v29;
	v39 =	vld.idx.msk [tilespmem:v14+s18+$0x0], $0xffff;
	v1 =	vadd.f32 v2, v1;
	v2 =	vmul.f32 v7, v6  }
0x1cb: {  	v41 =	vor.u32 $0x8, v3;
	v13 =	vld.idx.msk [tilespmem:v13+s2+$0x0], $0xffff  }
0x1cc: {  	v40 =	vor.u32 $0x8, v29;
	v42 =	vld.idx.msk [tilespmem:v15+s18+$0x0], $0xffff;
	v1 =	vadd.f32 v2, v1;
	v2 =	vmul.f32 v35, v9  }
0x1cd: {  	v44 =	vor.u32 $0x9, v3;
	v10 =	vld.idx.msk [tilespmem:v36+s2+$0x0], $0xffff  }
0x1ce: {  	v43 =	vor.u32 $0x9, v29;
	v45 =	vld.idx.msk [tilespmem:v16+s18+$0x0], $0xffff;
	v1 =	vadd.f32 v2, v1;
	v2 =	vmul.f32 v37, v11  }
0x1cf: {  	v47 =	vor.u32 $0xA, v3;
	v12 =	vld.idx.msk [tilespmem:v38+s2+$0x0], $0xffff  }
0x1d0: {  	v46 =	vor.u32 $0xA, v29;
	v48 =	vld.idx.msk [tilespmem:v41+s18+$0x0], $0xffff;
	v1 =	vadd.f32 v2, v1;
	v2 =	vmul.f32 v39, v13  }
0x1d1: {  	v50 =	vor.u32 $0xB, v3;
	v7 =	vld.idx.msk [tilespmem:v40+s2+$0x0], $0xffff  }
0x1d2: {  	v49 =	vor.u32 $0xB, v29;
	v51 =	vld.idx.msk [tilespmem:v44+s18+$0x0], $0xffff;
	v1 =	vadd.f32 v2, v1;
	v2 =	vmul.f32 v42, v10  }
0x1d3: {  	v53 =	vor.u32 $0xC, v3;
	v9 =	vld.idx.msk [tilespmem:v43+s2+$0x0], $0xffff  }
0x1d4: {  	v52 =	vor.u32 $0xC, v29;
	v54 =	vld.idx.msk [tilespmem:v47+s18+$0x0], $0xffff;
	v1 =	vadd.f32 v2, v1;
	v2 =	vmul.f32 v45, v12  }
0x1d5: {  	v56 =	vor.u32 $0xD, v3;
	v11 =	vld.idx.msk [tilespmem:v46+s2+$0x0], $0xffff  }
0x1d6: {  	v55 =	vor.u32 $0xD, v29;
	v57 =	vld.idx.msk [tilespmem:v50+s18+$0x0], $0xffff;
	v1 =	vadd.f32 v2, v1;
	v2 =	vmul.f32 v48, v7  }
0x1d7: {  	v59 =	vor.u32 $0xE, v3;
	v13 =	vld.idx.msk [tilespmem:v49+s2+$0x0], $0xffff  }
0x1d8: {  	v58 =	vor.u32 $0xE, v29;
	v60 =	vld.idx.msk [tilespmem:v53+s18+$0x0], $0xffff;
	v1 =	vadd.f32 v2, v1;
	v2 =	vmul.f32 v51, v9  }
0x1d9: {  	v4 =	vor.u32 $0xF, v29;
	v10 =	vld.idx.msk [tilespmem:v52+s2+$0x0], $0xffff  }
0x1da: {  	v3 =	vor.u32 $0xF, v3;
	v62 =	vld.idx.msk [tilespmem:v56+s18+$0x0], $0xffff;
	v1 =	vadd.f32 v2, v1;
	v2 =	vmul.f32 v54, v11  }
0x1db: {  	v61 =	vld.idx.msk [tilespmem:v55+s2+$0x0], $0xffff  }
0x1dc: {  	v63 =	vld.idx.msk [tilespmem:v59+s18+$0x0], $0xffff;
	v1 =	vadd.f32 v2, v1;
	v2 =	vmul.f32 v57, v13  }
0x1dd: {  	v7 =	vld.idx.msk [tilespmem:v58+s2+$0x0], $0xffff  }
0x1de: {  	v4 =	vld.idx.msk [tilespmem:v4+s2+$0x0], $0xffff;
	v1 =	vadd.f32 v2, v1;
	v2 =	vmul.f32 v60, v10  }
0x1df: {  	v3 =	vld.idx.msk [tilespmem:v3+s18+$0x0], $0xffff  }
0x1e0: {  	v1 =	vadd.f32 v2, v1;
	v2 =	vmul.f32 v62, v61;
	_ =	sdelay $0x1  }
0x1e1: {  	v1 =	vadd.f32 v2, v1;
	v2 =	vmul.f32 v63, v7;
	_ =	sdelay $0x1  }
0x1e2: {  	v1 =	vadd.f32 v2, v1;
	v2 =	vmul.f32 v3, v4;
	_ =	sdelay $0x1  }
0x1e3: {  	s30 =	sshll.u32 s21, $0x9;
	s21 =	sadd.s32 $0x1, s21;
	v1 =	vadd.f32 v2, v1  }
0x1e4: {  	p0 =	slt.u32 s21, s24;
	s23 =	sand.u32 $0x1FFFFE00, s30  }
.Ltmp2:
0x1e5: {  	s23 =	sadd.s32 s6, s23;
	[tilespmem:s26+$0x9D00] =	vst v1;
	(pc) =	sbr.rel @p0 .LBB2_4-.Ltmp2, $4  }
0x1e6: {  	[hbm4b:s23+s2] =	stream.linear.scatter [tilespmem:s19], [sflag:$0x1], $0x1000, $0x38;
	[tilespmem:$0x12100] =	vst v63  }
0x1e7: {  	_ =	swait.ge [sflag:s14], $0x1000  }
0x1e8: {  	[sflag:s14] =	ssyncset.done $0x0  }
0x1e9: {  	[sflag:s14] =	ssyncadd.s32 $0xFFFFF000  }
0x1ea: {  	s20 =	sadd.s32 $0x1, s20;
	s21 =	rddreg [dreg:$0x12]  }
0x1eb: {  	p0 =	sne.s32 s20, s21  }
.Ltmp3:
0x1ec: {  	_ = 	snop;
	(pc) =	sbr.rel @p0 .LBB2_1-.Ltmp3, $1  }
0x1ed: {  	_ =	sdelay $0x3  }
0x1ee: {  	_ =	sfence.sel $0x180000  }
0x1ef: {  	[bflag:$0x0] =	sbarrier.arrive $0xFFFF  }
0x1f0: {  	_ =	strace $0x90000047  }
0x1f1: {  	s0 =	stileid.u32;
	[bflag:$0x2] =	sbarrier.arrive $0xFFFF  }
0x1f2: {  	p0 =	sne.s32 s0, $0x0;
	s0 =	rddreg [dreg:$0x1]  }
0x1f3: {  	s0 =	sadd.s32 @!p0 $0x100000, s0  }
0x1f4: {  	[sflag:s0] =	ssyncadd.tile.s32 @!p0 $0x1;
	_ =	shalt  }
.Lfunc_end2:
_tile_overlayer_lowered:
.L_overlay_start_2:
0x1f5: {  	(tag) =	ssettag $0x2  }
0x1f6: {  	s0 =	rddreg [dreg:$0x0];
	s2 =	stileid.u32  }
0x1f7: {  	s1 =	rddreg [dreg:$0x1];
	p0 =	sne.s32 s2, $0x0  }
0x1f8: {  	s3 =	rddreg [dreg:$0x2];
	[bflag:$0x3] =	sbarrier.arrive $0xFFFF;
	s2 =	simm.s32 @!p0 $0x1C01  }
0x1f9: {  	[timem:s3], [sflag:s2] =	dma.local @!p0 [hbm:s0], s1  }
0x1fa: {  	s0 =	simm.s32 @!p0 $0x1  }
0x1fb: {  	_ =	swait.ge @!p0 [sflag:s0], s1  }
0x1fc: {  	s1 =	ssub.s32 @!p0 $0x0, s1;
	[sflag:s0] =	ssyncset.done @!p0 $0x0  }
0x1fd: {  	[sflag:s0] =	ssyncadd.s32 @!p0 s1  }
0x1fe: {  	[bflag:$0x3] =	sbarrier.arrive $0xFFFF  }
0x1ff: {  	_ =	shalt  }

</sc_bundles>
